<compile_context>
chip_gen: v7x
topology: tpu7x:2x2x1
jax: 0.10.2.dev20260603
libtpu: 0.0.44.dev20260713+nightly
codegen_flags: <defaults>
</compile_context>

<pallas_src>
import functools

import jax
import jax.numpy as jnp
from jax import lax
from jax.experimental import pallas as pl
from jax.experimental.pallas import tpu as pltpu
from jax.experimental.pallas import tpu_sc as plsc

B = 32
ROWS, COLS = 2048, 1024
N = ROWS * COLS
TOPK = 16

SC_SAMPLES = 16
TC_SAMPLES = B - SC_SAMPLES

SC_L = 16
SC_NC, SC_NS = 2, 16
NW = SC_NC * SC_NS
WPS = NW // SC_SAMPLES
WROWS = ROWS // WPS
CR = 16
NBUF = 2
NCHUNK = WROWS // CR

_mesh = plsc.VectorSubcoreMesh(core_axis_name="c", subcore_axis_name="s",
                               num_cores=SC_NC, num_subcores=SC_NS)


@functools.partial(
    pl.kernel,
    out_type=jax.ShapeDtypeStruct((NW, SC_L), jnp.float32),
    mesh=_mesh,
    compiler_params=pltpu.CompilerParams(use_tc_tiling_on_sc=True),
    scratch_types=[
        pltpu.VMEM((NBUF, CR, COLS), jnp.float32),
        pltpu.VMEM((NBUF, CR, COLS), jnp.float32),
        pltpu.VMEM((SC_L,), jnp.float32),
        pltpu.SemaphoreType.DMA,
        pltpu.SemaphoreType.DMA,
    ],
)
def _sc_reduce(o_hbm, l_hbm, out_hbm, obuf, lbuf, accv, sem0, sem1):
    sems = (sem0, sem1)
    wid = lax.axis_index("s") * SC_NC + lax.axis_index("c")
    base = TC_SAMPLES * ROWS + wid * WROWS

    def _start(i, slot):
        pltpu.async_copy(o_hbm.at[pl.ds(base + i * CR, CR)], obuf.at[slot],
                         sems[slot])
        pltpu.async_copy(l_hbm.at[pl.ds(base + i * CR, CR)], lbuf.at[slot],
                         sems[slot])

    def _wait(i, slot):
        pltpu.make_async_copy(o_hbm.at[pl.ds(base + i * CR, CR)],
                              obuf.at[slot], sems[slot]).wait()
        pltpu.make_async_copy(l_hbm.at[pl.ds(base + i * CR, CR)],
                              lbuf.at[slot], sems[slot]).wait()

    for b in range(NBUF):
        _start(b, b)
    accv[...] = jnp.zeros((SC_L,), jnp.float32)

    @pl.loop(0, NCHUNK, step=NBUF)
    def _outer(g):
        for b in range(NBUF):
            i = g + b
            _wait(i, b)

            @plsc.parallel_loop(0, COLS // SC_L, unroll=2,
                                carry=jnp.zeros((SC_L,), jnp.float32))
            def chunk_acc(j, acc):
                sq = []
                for r in range(CR):
                    d = (obuf.at[b][r, pl.ds(j * SC_L, SC_L)]
                         - lbuf.at[b][r, pl.ds(j * SC_L, SC_L)])
                    sq.append(d * d)
                while len(sq) > 1:
                    sq = [sq[k] + sq[k + 1] for k in range(0, len(sq), 2)]
                return acc + sq[0]

            accv[...] += chunk_acc
            nxt = i + NBUF

            @pl.when(nxt < NCHUNK)
            def _():
                _start(nxt, b)

    pltpu.sync_copy(accv, out_hbm.at[wid])


TC_BR = 1024
TC_SPS = ROWS // TC_BR
TC_GRID = TC_SAMPLES * TC_SPS


def _tc_body(o_ref, l_ref, out_ref, acc_ref):
    step = pl.program_id(0)
    sample = step // TC_SPS

    d = o_ref[...] - l_ref[...]
    s = jnp.sum(d * d)

    @pl.when(step % TC_SPS == 0)
    def _first():
        acc_ref[sample] = s

    @pl.when(step % TC_SPS != 0)
    def _rest():
        acc_ref[sample] += s

    @pl.when(step == TC_GRID - 1)
    def _emit():
        ii = lax.broadcasted_iota(jnp.int32, (TC_SAMPLES, 1), 0)

        def _build(i, vals):
            return jnp.where(ii == i, acc_ref[i], vals)

        out_ref[...] = lax.fori_loop(0, TC_SAMPLES, _build,
                                     jnp.zeros((TC_SAMPLES, 1), jnp.float32))


def _topk_body(tc_ref, sc_ref, out_ref):
    sc_sums = jnp.sum(sc_ref[...], axis=1, keepdims=True)
    vals0 = jnp.concatenate([tc_ref[...], sc_sums], axis=0) * (1.0 / N)
    ii = lax.broadcasted_iota(jnp.int32, (B, 1), 0)
    jk = lax.broadcasted_iota(jnp.int32, (1, TOPK), 1)

    def _extract(k, carry):
        vals, outr = carry
        m = jnp.max(vals)
        outr = jnp.where(jk == k, m, outr)
        first = jnp.min(jnp.where(vals == m, ii, 2 * B))
        vals = jnp.where(ii == first, -jnp.inf, vals)
        return vals, outr

    _, outr = lax.fori_loop(0, TOPK, _extract,
                            (vals0, jnp.zeros((1, TOPK), jnp.float32)))
    out_ref[...] = outr


def kernel(output, label):
    o2 = output.reshape(B * ROWS, COLS)
    l2 = label.reshape(B * ROWS, COLS)
    sc_acc = _sc_reduce(o2, l2)
    tc_sums = pl.pallas_call(
        _tc_body,
        grid=(TC_GRID,),
        in_specs=[pl.BlockSpec((TC_BR, COLS), lambda i: (i, 0)),
                  pl.BlockSpec((TC_BR, COLS), lambda i: (i, 0))],
        out_specs=pl.BlockSpec((TC_SAMPLES, 1), lambda i: (0, 0)),
        out_shape=jax.ShapeDtypeStruct((TC_SAMPLES, 1), jnp.float32),
        scratch_shapes=[pltpu.SMEM((TC_SAMPLES,), jnp.float32)],
    )(o2, l2)
    sc_grouped = sc_acc.reshape(SC_SAMPLES, WPS * SC_L)
    out = pl.pallas_call(
        _topk_body,
        out_shape=jax.ShapeDtypeStruct((1, TOPK), jnp.float32),
    )(tc_sums, sc_grouped)
    return out[0]

# --- scband reference (transcript-rebuilt; emitter-appended) ---
"""Pipeline reference for scband-topk-mseloss-40278203302090 (READ-ONLY COPY).

The authoritative reference and input builder live on the scoring server;
editing this copy changes nothing except your own understanding.
"""

import jax, jax.numpy as jnp
import numpy as np

TOPK = 16

def setup_inputs(seed: int = 0) -> dict:
    key = jax.random.key(seed)
    k1, k2 = jax.random.split(key)
    output = jax.random.normal(k1, (32, 2048, 1024), dtype=jnp.float32)
    label = jax.random.normal(k2, (32, 2048, 1024), dtype=jnp.float32)
    return {"output": output, "label": label}

def reference(output, label):
    # elementwise MSE (reduction='none'), mean over dim 2 then dim 1 -> per-sample loss [B]
    losses = jnp.mean(jnp.mean((output - label) ** 2, axis=2), axis=1)
    # top-k largest per-sample losses
    topv, _ = jax.lax.top_k(losses, TOPK)
    return topv

if __name__ == "__main__":
    import jax
    _d = setup_inputs()
    print(jax.jit(kernel)(*tuple(_d.values())))

</pallas_src>

<mosaic_0001>
#map = affine_map<(d0, d1) -> (0, 0)>
module attributes {stable_mosaic.version = 14 : i64} {
  func.func @_sc_reduce(%arg0: i32, %arg1: i32, %arg2: memref<65536x1024xf32, #tpu.memory_space<hbm>>, %arg3: memref<65536x1024xf32, #tpu.memory_space<hbm>>, %arg4: memref<32x16xf32, #tpu.memory_space<hbm>>, %arg5: memref<2x16x1024xf32, #tpu.memory_space<vmem>>, %arg6: memref<2x16x1024xf32, #tpu.memory_space<vmem>>, %arg7: memref<16xf32, #tpu.memory_space<vmem>>, %arg8: memref<!tpu.dma_semaphore, #tpu.memory_space<semaphore_mem>>, %arg9: memref<!tpu.dma_semaphore, #tpu.memory_space<semaphore_mem>>) attributes {dimension_semantics = [#tpu.dimension_semantics<core_parallel>, #tpu.dimension_semantics<subcore_parallel>], iteration_bounds = array<i64: 2, 16>, scalar_prefetch = 0 : i64, scratch_operands = 5 : i64, tpu.core_type = #tpu.core_type<sc_vector_subcore>, window_params = [{transform_indices = #map}, {transform_indices = #map}, {transform_indices = #map}]} {
    %mul3A = arith.constant 2 : i32
    %mul3A_0 = arith.muli %arg1, %mul3A : i32
    %add3A = arith.addi %mul3A_0, %arg0 : i32
    %mul3A_1 = arith.constant 1024 : i32
    %mul3A_2 = arith.muli %add3A, %mul3A_1 : i32
    %add3A_3 = arith.constant 32768 : i32
    %add3A_4 = arith.addi %add3A_3, %mul3A_2 : i32
    %add3A_5 = arith.constant 0 : i32
    %add3A_6 = arith.addi %add3A_4, %add3A_5 : i32
    %dma_start3A = arith.constant 0 : i32
    %dma_start3A_7 = arith.constant 0 : i32
    %dma_start3A_8 = arith.constant 0 : i32
    %dma_start3A_9 = tpu.memref_slice %arg5[%dma_start3A, %dma_start3A_7, %dma_start3A_8] : memref<2x16x1024xf32, #tpu.memory_space<vmem>> -> memref<1x16x1024xf32, #tpu.memory_space<vmem>>
    %dma_start3A_10 = tpu.memref_squeeze %dma_start3A_9 : memref<1x16x1024xf32, #tpu.memory_space<vmem>> -> memref<16x1024xf32, #tpu.memory_space<vmem>>
    %dma_start3A_11 = arith.constant 0 : i32
    %dma_start3A_12 = tpu.memref_slice %arg2[%add3A_6, %dma_start3A_11] : memref<65536x1024xf32, #tpu.memory_space<hbm>> -> memref<16x1024xf32, #tpu.memory_space<hbm>>
    %dma_start3A_13 = arith.constant 0 : i32
    %dma_start3A_14 = arith.constant 0 : i32
    %dma_start3A_15 = tpu.memref_slice %arg5[%dma_start3A, %dma_start3A_13, %dma_start3A_14] : memref<2x16x1024xf32, #tpu.memory_space<vmem>> -> memref<1x16x1024xf32, #tpu.memory_space<vmem>>
    %dma_start3A_16 = tpu.memref_squeeze %dma_start3A_15 : memref<1x16x1024xf32, #tpu.memory_space<vmem>> -> memref<16x1024xf32, #tpu.memory_space<vmem>>
    %dma_start3A_17 = arith.constant 0 : i32
    %dma_start3A_18 = tpu.memref_slice %arg2[%add3A_6, %dma_start3A_17] : memref<65536x1024xf32, #tpu.memory_space<hbm>> -> memref<16x1024xf32, #tpu.memory_space<hbm>>
    tpu.enqueue_dma source(%dma_start3A_18 : memref<16x1024xf32, #tpu.memory_space<hbm>>) target(%dma_start3A_16 : memref<16x1024xf32, #tpu.memory_space<vmem>>) target_semaphore(%arg8 : memref<!tpu.dma_semaphore, #tpu.memory_space<semaphore_mem>>)
    %add3A_19 = arith.constant 0 : i32
    %add3A_20 = arith.addi %add3A_4, %add3A_19 : i32
    %dma_start3A_21 = arith.constant 0 : i32
    %dma_start3A_22 = arith.constant 0 : i32
    %dma_start3A_23 = arith.constant 0 : i32
    %dma_start3A_24 = tpu.memref_slice %arg6[%dma_start3A_21, %dma_start3A_22, %dma_start3A_23] : memref<2x16x1024xf32, #tpu.memory_space<vmem>> -> memref<1x16x1024xf32, #tpu.memory_space<vmem>>
    %dma_start3A_25 = tpu.memref_squeeze %dma_start3A_24 : memref<1x16x1024xf32, #tpu.memory_space<vmem>> -> memref<16x1024xf32, #tpu.memory_space<vmem>>
    %dma_start3A_26 = arith.constant 0 : i32
    %dma_start3A_27 = tpu.memref_slice %arg3[%add3A_20, %dma_start3A_26] : memref<65536x1024xf32, #tpu.memory_space<hbm>> -> memref<16x1024xf32, #tpu.memory_space<hbm>>
    %dma_start3A_28 = arith.constant 0 : i32
    %dma_start3A_29 = arith.constant 0 : i32
    %dma_start3A_30 = tpu.memref_slice %arg6[%dma_start3A_21, %dma_start3A_28, %dma_start3A_29] : memref<2x16x1024xf32, #tpu.memory_space<vmem>> -> memref<1x16x1024xf32, #tpu.memory_space<vmem>>
    %dma_start3A_31 = tpu.memref_squeeze %dma_start3A_30 : memref<1x16x1024xf32, #tpu.memory_space<vmem>> -> memref<16x1024xf32, #tpu.memory_space<vmem>>
    %dma_start3A_32 = arith.constant 0 : i32
    %dma_start3A_33 = tpu.memref_slice %arg3[%add3A_20, %dma_start3A_32] : memref<65536x1024xf32, #tpu.memory_space<hbm>> -> memref<16x1024xf32, #tpu.memory_space<hbm>>
    tpu.enqueue_dma source(%dma_start3A_33 : memref<16x1024xf32, #tpu.memory_space<hbm>>) target(%dma_start3A_31 : memref<16x1024xf32, #tpu.memory_space<vmem>>) target_semaphore(%arg8 : memref<!tpu.dma_semaphore, #tpu.memory_space<semaphore_mem>>)
    %add3A_34 = arith.constant 16 : i32
    %add3A_35 = arith.addi %add3A_4, %add3A_34 : i32
    %dma_start3A_36 = arith.constant 1 : i32
    %dma_start3A_37 = arith.constant 0 : i32
    %dma_start3A_38 = arith.constant 0 : i32
    %dma_start3A_39 = tpu.memref_slice %arg5[%dma_start3A_36, %dma_start3A_37, %dma_start3A_38] : memref<2x16x1024xf32, #tpu.memory_space<vmem>> -> memref<1x16x1024xf32, #tpu.memory_space<vmem>>
    %dma_start3A_40 = tpu.memref_squeeze %dma_start3A_39 : memref<1x16x1024xf32, #tpu.memory_space<vmem>> -> memref<16x1024xf32, #tpu.memory_space<vmem>>
    %dma_start3A_41 = arith.constant 0 : i32
    %dma_start3A_42 = tpu.memref_slice %arg2[%add3A_35, %dma_start3A_41] : memref<65536x1024xf32, #tpu.memory_space<hbm>> -> memref<16x1024xf32, #tpu.memory_space<hbm>>
    %dma_start3A_43 = arith.constant 0 : i32
    %dma_start3A_44 = arith.constant 0 : i32
    %dma_start3A_45 = tpu.memref_slice %arg5[%dma_start3A_36, %dma_start3A_43, %dma_start3A_44] : memref<2x16x1024xf32, #tpu.memory_space<vmem>> -> memref<1x16x1024xf32, #tpu.memory_space<vmem>>
    %dma_start3A_46 = tpu.memref_squeeze %dma_start3A_45 : memref<1x16x1024xf32, #tpu.memory_space<vmem>> -> memref<16x1024xf32, #tpu.memory_space<vmem>>
    %dma_start3A_47 = arith.constant 0 : i32
    %dma_start3A_48 = tpu.memref_slice %arg2[%add3A_35, %dma_start3A_47] : memref<65536x1024xf32, #tpu.memory_space<hbm>> -> memref<16x1024xf32, #tpu.memory_space<hbm>>
    tpu.enqueue_dma source(%dma_start3A_48 : memref<16x1024xf32, #tpu.memory_space<hbm>>) target(%dma_start3A_46 : memref<16x1024xf32, #tpu.memory_space<vmem>>) target_semaphore(%arg9 : memref<!tpu.dma_semaphore, #tpu.memory_space<semaphore_mem>>)
    %add3A_49 = arith.constant 16 : i32
    %add3A_50 = arith.addi %add3A_4, %add3A_49 : i32
    %dma_start3A_51 = arith.constant 1 : i32
    %dma_start3A_52 = arith.constant 0 : i32
    %dma_start3A_53 = arith.constant 0 : i32
    %dma_start3A_54 = tpu.memref_slice %arg6[%dma_start3A_51, %dma_start3A_52, %dma_start3A_53] : memref<2x16x1024xf32, #tpu.memory_space<vmem>> -> memref<1x16x1024xf32, #tpu.memory_space<vmem>>
    %dma_start3A_55 = tpu.memref_squeeze %dma_start3A_54 : memref<1x16x1024xf32, #tpu.memory_space<vmem>> -> memref<16x1024xf32, #tpu.memory_space<vmem>>
    %dma_start3A_56 = arith.constant 0 : i32
    %dma_start3A_57 = tpu.memref_slice %arg3[%add3A_50, %dma_start3A_56] : memref<65536x1024xf32, #tpu.memory_space<hbm>> -> memref<16x1024xf32, #tpu.memory_space<hbm>>
    %dma_start3A_58 = arith.constant 0 : i32
    %dma_start3A_59 = arith.constant 0 : i32
    %dma_start3A_60 = tpu.memref_slice %arg6[%dma_start3A_51, %dma_start3A_58, %dma_start3A_59] : memref<2x16x1024xf32, #tpu.memory_space<vmem>> -> memref<1x16x1024xf32, #tpu.memory_space<vmem>>
    %dma_start3A_61 = tpu.memref_squeeze %dma_start3A_60 : memref<1x16x1024xf32, #tpu.memory_space<vmem>> -> memref<16x1024xf32, #tpu.memory_space<vmem>>
    %dma_start3A_62 = arith.constant 0 : i32
    %dma_start3A_63 = tpu.memref_slice %arg3[%add3A_50, %dma_start3A_62] : memref<65536x1024xf32, #tpu.memory_space<hbm>> -> memref<16x1024xf32, #tpu.memory_space<hbm>>
    tpu.enqueue_dma source(%dma_start3A_63 : memref<16x1024xf32, #tpu.memory_space<hbm>>) target(%dma_start3A_61 : memref<16x1024xf32, #tpu.memory_space<vmem>>) target_semaphore(%arg9 : memref<!tpu.dma_semaphore, #tpu.memory_space<semaphore_mem>>)
    %broadcast_in_dim3A = arith.constant 0.000000e+00 : f32
    %broadcast_in_dim3A_64 = vector.broadcast %broadcast_in_dim3A : f32 to vector<16xf32>
    %swap3A = arith.constant 0 : index
    %swap3A_65 = tpu.vector_load %arg7[%swap3A] {strides = array<i32>} : memref<16xf32, #tpu.memory_space<vmem>>, vector<16xf32>,
    %swap3A_66 = vector.shape_cast %swap3A_65 : vector<16xf32> to vector<16xf32>
    %swap3A_67 = vector.shape_cast %broadcast_in_dim3A_64 : vector<16xf32> to vector<16xf32>
    tpu.vector_store %arg7[%swap3A], %swap3A_67 {strides = array<i32>} : memref<16xf32, #tpu.memory_space<vmem>>, vector<16xf32>,
    %scan3A = arith.constant 0 : i32
    %scan3A_68 = arith.constant 32 : i32
    %scan3A_69 = arith.addi %scan3A, %scan3A_68 : i32
    %scan3A_70 = arith.constant 1 : i32
    scf.for %scan3A_72 = %scan3A to %scan3A_69 step %scan3A_70  : i32 {
      %mul3A_73 = arith.constant 2 : i32
      %mul3A_74 = arith.muli %scan3A_72, %mul3A_73 : i32
      %add3A_75 = arith.constant 0 : i32
      %add3A_76 = arith.addi %add3A_75, %mul3A_74 : i32
      %add3A_77 = arith.constant 0 : i32
      %add3A_78 = arith.addi %add3A_76, %add3A_77 : i32
      %mul3A_79 = arith.constant 16 : i32
      %mul3A_80 = arith.muli %add3A_78, %mul3A_79 : i32
      %add3A_81 = arith.addi %add3A_4, %mul3A_80 : i32
      %dma_wait3A = arith.constant 0 : i32
      %dma_wait3A_82 = arith.constant 0 : i32
      %dma_wait3A_83 = arith.constant 0 : i32
      %dma_wait3A_84 = tpu.memref_slice %arg5[%dma_wait3A, %dma_wait3A_82, %dma_wait3A_83] : memref<2x16x1024xf32, #tpu.memory_space<vmem>> -> memref<1x16x1024xf32, #tpu.memory_space<vmem>>
      %dma_wait3A_85 = tpu.memref_squeeze %dma_wait3A_84 : memref<1x16x1024xf32, #tpu.memory_space<vmem>> -> memref<16x1024xf32, #tpu.memory_space<vmem>>
      %dma_wait3A_86 = arith.constant 0 : i32
      %dma_wait3A_87 = tpu.memref_slice %arg2[%add3A_81, %dma_wait3A_86] : memref<65536x1024xf32, #tpu.memory_space<hbm>> -> memref<16x1024xf32, #tpu.memory_space<hbm>>
      %dma_wait3A_88 = arith.constant 0 : i32
      %dma_wait3A_89 = arith.constant 0 : i32
      %dma_wait3A_90 = tpu.memref_slice %arg5[%dma_wait3A, %dma_wait3A_88, %dma_wait3A_89] : memref<2x16x1024xf32, #tpu.memory_space<vmem>> -> memref<1x16x1024xf32, #tpu.memory_space<vmem>>
      %dma_wait3A_91 = tpu.memref_squeeze %dma_wait3A_90 : memref<1x16x1024xf32, #tpu.memory_space<vmem>> -> memref<16x1024xf32, #tpu.memory_space<vmem>>
      %dma_wait3A_92 = arith.constant 0 : i32
      %dma_wait3A_93 = tpu.memref_slice %arg2[%add3A_81, %dma_wait3A_92] : memref<65536x1024xf32, #tpu.memory_space<hbm>> -> memref<16x1024xf32, #tpu.memory_space<hbm>>
      tpu.wait_dma2 semaphore(%arg8 : memref<!tpu.dma_semaphore, #tpu.memory_space<semaphore_mem>>) src(%dma_wait3A_93 : memref<16x1024xf32, #tpu.memory_space<hbm>>) dst(%dma_wait3A_91 : memref<16x1024xf32, #tpu.memory_space<vmem>>)
      %mul3A_94 = arith.constant 16 : i32
      %mul3A_95 = arith.muli %add3A_78, %mul3A_94 : i32
      %add3A_96 = arith.addi %add3A_4, %mul3A_95 : i32
      %dma_wait3A_97 = arith.constant 0 : i32
      %dma_wait3A_98 = arith.constant 0 : i32
      %dma_wait3A_99 = arith.constant 0 : i32
      %dma_wait3A_100 = tpu.memref_slice %arg6[%dma_wait3A_97, %dma_wait3A_98, %dma_wait3A_99] : memref<2x16x1024xf32, #tpu.memory_space<vmem>> -> memref<1x16x1024xf32, #tpu.memory_space<vmem>>
      %dma_wait3A_101 = tpu.memref_squeeze %dma_wait3A_100 : memref<1x16x1024xf32, #tpu.memory_space<vmem>> -> memref<16x1024xf32, #tpu.memory_space<vmem>>
      %dma_wait3A_102 = arith.constant 0 : i32
      %dma_wait3A_103 = tpu.memref_slice %arg3[%add3A_96, %dma_wait3A_102] : memref<65536x1024xf32, #tpu.memory_space<hbm>> -> memref<16x1024xf32, #tpu.memory_space<hbm>>
      %dma_wait3A_104 = arith.constant 0 : i32
      %dma_wait3A_105 = arith.constant 0 : i32
      %dma_wait3A_106 = tpu.memref_slice %arg6[%dma_wait3A_97, %dma_wait3A_104, %dma_wait3A_105] : memref<2x16x1024xf32, #tpu.memory_space<vmem>> -> memref<1x16x1024xf32, #tpu.memory_space<vmem>>
      %dma_wait3A_107 = tpu.memref_squeeze %dma_wait3A_106 : memref<1x16x1024xf32, #tpu.memory_space<vmem>> -> memref<16x1024xf32, #tpu.memory_space<vmem>>
      %dma_wait3A_108 = arith.constant 0 : i32
      %dma_wait3A_109 = tpu.memref_slice %arg3[%add3A_96, %dma_wait3A_108] : memref<65536x1024xf32, #tpu.memory_space<hbm>> -> memref<16x1024xf32, #tpu.memory_space<hbm>>
      tpu.wait_dma2 semaphore(%arg8 : memref<!tpu.dma_semaphore, #tpu.memory_space<semaphore_mem>>) src(%dma_wait3A_109 : memref<16x1024xf32, #tpu.memory_space<hbm>>) dst(%dma_wait3A_107 : memref<16x1024xf32, #tpu.memory_space<vmem>>)
      %broadcast_in_dim3A_110 = arith.constant 0.000000e+00 : f32
      %broadcast_in_dim3A_111 = vector.broadcast %broadcast_in_dim3A_110 : f32 to vector<16xf32>
      %parallel_loop3A = arith.constant 0 : i32
      %parallel_loop3A_112 = arith.constant 64 : i32
      %parallel_loop3A_113 = arith.constant 1 : i32
      %parallel_loop3A_114 = scf.for %parallel_loop3A_181 = %parallel_loop3A to %parallel_loop3A_112 step %parallel_loop3A_113 iter_args(%parallel_loop3A_182 = %broadcast_in_dim3A_111) -> (vector<16xf32>)  : i32 {
        %parallel_loop3A_183 = arith.constant 16 : i32
        %parallel_loop3A_184 = arith.muli %parallel_loop3A_181, %parallel_loop3A_183 : i32
        %parallel_loop3A_185 = arith.constant 0 : i32
        %parallel_loop3A_186 = arith.constant 0 : i32
        %parallel_loop3A_187 = arith.constant 0 : i32
        %parallel_loop3A_188 = arith.constant 0 : i32
        %parallel_loop3A_189 = tpu.memref_slice %arg5[%parallel_loop3A_185, %parallel_loop3A_187, %parallel_loop3A_188] : memref<2x16x1024xf32, #tpu.memory_space<vmem>> -> memref<1x16x1024xf32, #tpu.memory_space<vmem>>
        %parallel_loop3A_190 = tpu.memref_squeeze %parallel_loop3A_189 : memref<1x16x1024xf32, #tpu.memory_space<vmem>> -> memref<16x1024xf32, #tpu.memory_space<vmem>>
        %parallel_loop3A_191 = arith.index_cast %parallel_loop3A_186 : i32 to index
        %parallel_loop3A_192 = arith.index_cast %parallel_loop3A_184 : i32 to index
        %parallel_loop3A_193 = tpu.vector_load %parallel_loop3A_190[%parallel_loop3A_191, %parallel_loop3A_192] {strides = array<i32>} : memref<16x1024xf32, #tpu.memory_space<vmem>>, vector<1x16xf32>,
        %parallel_loop3A_194 = vector.shape_cast %parallel_loop3A_193 : vector<1x16xf32> to vector<16xf32>
        %parallel_loop3A_195 = arith.constant 16 : i32
        %parallel_loop3A_196 = arith.muli %parallel_loop3A_181, %parallel_loop3A_195 : i32
        %parallel_loop3A_197 = arith.constant 0 : i32
        %parallel_loop3A_198 = arith.constant 0 : i32
        %parallel_loop3A_199 = arith.constant 0 : i32
        %parallel_loop3A_200 = arith.constant 0 : i32
        %parallel_loop3A_201 = tpu.memref_slice %arg6[%parallel_loop3A_197, %parallel_loop3A_199, %parallel_loop3A_200] : memref<2x16x1024xf32, #tpu.memory_space<vmem>> -> memref<1x16x1024xf32, #tpu.memory_space<vmem>>
        %parallel_loop3A_202 = tpu.memref_squeeze %parallel_loop3A_201 : memref<1x16x1024xf32, #tpu.memory_space<vmem>> -> memref<16x1024xf32, #tpu.memory_space<vmem>>
        %parallel_loop3A_203 = arith.index_cast %parallel_loop3A_198 : i32 to index
        %parallel_loop3A_204 = arith.index_cast %parallel_loop3A_196 : i32 to index
        %parallel_loop3A_205 = tpu.vector_load %parallel_loop3A_202[%parallel_loop3A_203, %parallel_loop3A_204] {strides = array<i32>} : memref<16x1024xf32, #tpu.memory_space<vmem>>, vector<1x16xf32>,
        %parallel_loop3A_206 = vector.shape_cast %parallel_loop3A_205 : vector<1x16xf32> to vector<16xf32>
        %parallel_loop3A_207 = arith.subf %parallel_loop3A_194, %parallel_loop3A_206 : vector<16xf32>
        %parallel_loop3A_208 = arith.mulf %parallel_loop3A_207, %parallel_loop3A_207 : vector<16xf32>
        %parallel_loop3A_209 = arith.constant 16 : i32
        %parallel_loop3A_210 = arith.muli %parallel_loop3A_181, %parallel_loop3A_209 : i32
        %parallel_loop3A_211 = arith.constant 0 : i32
        %parallel_loop3A_212 = arith.constant 1 : i32
        %parallel_loop3A_213 = arith.constant 0 : i32
        %parallel_loop3A_214 = arith.constant 0 : i32
        %parallel_loop3A_215 = tpu.memref_slice %arg5[%parallel_loop3A_211, %parallel_loop3A_213, %parallel_loop3A_214] : memref<2x16x1024xf32, #tpu.memory_space<vmem>> -> memref<1x16x1024xf32, #tpu.memory_space<vmem>>
        %parallel_loop3A_216 = tpu.memref_squeeze %parallel_loop3A_215 : memref<1x16x1024xf32, #tpu.memory_space<vmem>> -> memref<16x1024xf32, #tpu.memory_space<vmem>>
        %parallel_loop3A_217 = arith.index_cast %parallel_loop3A_212 : i32 to index
        %parallel_loop3A_218 = arith.index_cast %parallel_loop3A_210 : i32 to index
        %parallel_loop3A_219 = tpu.vector_load %parallel_loop3A_216[%parallel_loop3A_217, %parallel_loop3A_218] {strides = array<i32>} : memref<16x1024xf32, #tpu.memory_space<vmem>>, vector<1x16xf32>,
        %parallel_loop3A_220 = vector.shape_cast %parallel_loop3A_219 : vector<1x16xf32> to vector<16xf32>
        %parallel_loop3A_221 = arith.constant 16 : i32
        %parallel_loop3A_222 = arith.muli %parallel_loop3A_181, %parallel_loop3A_221 : i32
        %parallel_loop3A_223 = arith.constant 0 : i32
        %parallel_loop3A_224 = arith.constant 1 : i32
        %parallel_loop3A_225 = arith.constant 0 : i32
        %parallel_loop3A_226 = arith.constant 0 : i32
        %parallel_loop3A_227 = tpu.memref_slice %arg6[%parallel_loop3A_223, %parallel_loop3A_225, %parallel_loop3A_226] : memref<2x16x1024xf32, #tpu.memory_space<vmem>> -> memref<1x16x1024xf32, #tpu.memory_space<vmem>>
        %parallel_loop3A_228 = tpu.memref_squeeze %parallel_loop3A_227 : memref<1x16x1024xf32, #tpu.memory_space<vmem>> -> memref<16x1024xf32, #tpu.memory_space<vmem>>
        %parallel_loop3A_229 = arith.index_cast %parallel_loop3A_224 : i32 to index
        %parallel_loop3A_230 = arith.index_cast %parallel_loop3A_222 : i32 to index
        %parallel_loop3A_231 = tpu.vector_load %parallel_loop3A_228[%parallel_loop3A_229, %parallel_loop3A_230] {strides = array<i32>} : memref<16x1024xf32, #tpu.memory_space<vmem>>, vector<1x16xf32>,
        %parallel_loop3A_232 = vector.shape_cast %parallel_loop3A_231 : vector<1x16xf32> to vector<16xf32>
        %parallel_loop3A_233 = arith.subf %parallel_loop3A_220, %parallel_loop3A_232 : vector<16xf32>
        %parallel_loop3A_234 = arith.mulf %parallel_loop3A_233, %parallel_loop3A_233 : vector<16xf32>
        %parallel_loop3A_235 = arith.constant 16 : i32
        %parallel_loop3A_236 = arith.muli %parallel_loop3A_181, %parallel_loop3A_235 : i32
        %parallel_loop3A_237 = arith.constant 0 : i32
        %parallel_loop3A_238 = arith.constant 2 : i32
        %parallel_loop3A_239 = arith.constant 0 : i32
        %parallel_loop3A_240 = arith.constant 0 : i32
        %parallel_loop3A_241 = tpu.memref_slice %arg5[%parallel_loop3A_237, %parallel_loop3A_239, %parallel_loop3A_240] : memref<2x16x1024xf32, #tpu.memory_space<vmem>> -> memref<1x16x1024xf32, #tpu.memory_space<vmem>>
        %parallel_loop3A_242 = tpu.memref_squeeze %parallel_loop3A_241 : memref<1x16x1024xf32, #tpu.memory_space<vmem>> -> memref<16x1024xf32, #tpu.memory_space<vmem>>
        %parallel_loop3A_243 = arith.index_cast %parallel_loop3A_238 : i32 to index
        %parallel_loop3A_244 = arith.index_cast %parallel_loop3A_236 : i32 to index
        %parallel_loop3A_245 = tpu.vector_load %parallel_loop3A_242[%parallel_loop3A_243, %parallel_loop3A_244] {strides = array<i32>} : memref<16x1024xf32, #tpu.memory_space<vmem>>, vector<1x16xf32>,
        %parallel_loop3A_246 = vector.shape_cast %parallel_loop3A_245 : vector<1x16xf32> to vector<16xf32>
        %parallel_loop3A_247 = arith.constant 16 : i32
        %parallel_loop3A_248 = arith.muli %parallel_loop3A_181, %parallel_loop3A_247 : i32
        %parallel_loop3A_249 = arith.constant 0 : i32
        %parallel_loop3A_250 = arith.constant 2 : i32
        %parallel_loop3A_251 = arith.constant 0 : i32
        %parallel_loop3A_252 = arith.constant 0 : i32
        %parallel_loop3A_253 = tpu.memref_slice %arg6[%parallel_loop3A_249, %parallel_loop3A_251, %parallel_loop3A_252] : memref<2x16x1024xf32, #tpu.memory_space<vmem>> -> memref<1x16x1024xf32, #tpu.memory_space<vmem>>
        %parallel_loop3A_254 = tpu.memref_squeeze %parallel_loop3A_253 : memref<1x16x1024xf32, #tpu.memory_space<vmem>> -> memref<16x1024xf32, #tpu.memory_space<vmem>>
        %parallel_loop3A_255 = arith.index_cast %parallel_loop3A_250 : i32 to index
        %parallel_loop3A_256 = arith.index_cast %parallel_loop3A_248 : i32 to index
        %parallel_loop3A_257 = tpu.vector_load %parallel_loop3A_254[%parallel_loop3A_255, %parallel_loop3A_256] {strides = array<i32>} : memref<16x1024xf32, #tpu.memory_space<vmem>>, vector<1x16xf32>,
        %parallel_loop3A_258 = vector.shape_cast %parallel_loop3A_257 : vector<1x16xf32> to vector<16xf32>
        %parallel_loop3A_259 = arith.subf %parallel_loop3A_246, %parallel_loop3A_258 : vector<16xf32>
        %parallel_loop3A_260 = arith.mulf %parallel_loop3A_259, %parallel_loop3A_259 : vector<16xf32>
        %parallel_loop3A_261 = arith.constant 16 : i32
        %parallel_loop3A_262 = arith.muli %parallel_loop3A_181, %parallel_loop3A_261 : i32
        %parallel_loop3A_263 = arith.constant 0 : i32
        %parallel_loop3A_264 = arith.constant 3 : i32
        %parallel_loop3A_265 = arith.constant 0 : i32
        %parallel_loop3A_266 = arith.constant 0 : i32
        %parallel_loop3A_267 = tpu.memref_slice %arg5[%parallel_loop3A_263, %parallel_loop3A_265, %parallel_loop3A_266] : memref<2x16x1024xf32, #tpu.memory_space<vmem>> -> memref<1x16x1024xf32, #tpu.memory_space<vmem>>
        %parallel_loop3A_268 = tpu.memref_squeeze %parallel_loop3A_267 : memref<1x16x1024xf32, #tpu.memory_space<vmem>> -> memref<16x1024xf32, #tpu.memory_space<vmem>>
        %parallel_loop3A_269 = arith.index_cast %parallel_loop3A_264 : i32 to index
        %parallel_loop3A_270 = arith.index_cast %parallel_loop3A_262 : i32 to index
        %parallel_loop3A_271 = tpu.vector_load %parallel_loop3A_268[%parallel_loop3A_269, %parallel_loop3A_270] {strides = array<i32>} : memref<16x1024xf32, #tpu.memory_space<vmem>>, vector<1x16xf32>,
        %parallel_loop3A_272 = vector.shape_cast %parallel_loop3A_271 : vector<1x16xf32> to vector<16xf32>
        %parallel_loop3A_273 = arith.constant 16 : i32
        %parallel_loop3A_274 = arith.muli %parallel_loop3A_181, %parallel_loop3A_273 : i32
        %parallel_loop3A_275 = arith.constant 0 : i32
        %parallel_loop3A_276 = arith.constant 3 : i32
        %parallel_loop3A_277 = arith.constant 0 : i32
        %parallel_loop3A_278 = arith.constant 0 : i32
        %parallel_loop3A_279 = tpu.memref_slice %arg6[%parallel_loop3A_275, %parallel_loop3A_277, %parallel_loop3A_278] : memref<2x16x1024xf32, #tpu.memory_space<vmem>> -> memref<1x16x1024xf32, #tpu.memory_space<vmem>>
        %parallel_loop3A_280 = tpu.memref_squeeze %parallel_loop3A_279 : memref<1x16x1024xf32, #tpu.memory_space<vmem>> -> memref<16x1024xf32, #tpu.memory_space<vmem>>
        %parallel_loop3A_281 = arith.index_cast %parallel_loop3A_276 : i32 to index
        %parallel_loop3A_282 = arith.index_cast %parallel_loop3A_274 : i32 to index
        %parallel_loop3A_283 = tpu.vector_load %parallel_loop3A_280[%parallel_loop3A_281, %parallel_loop3A_282] {strides = array<i32>} : memref<16x1024xf32, #tpu.memory_space<vmem>>, vector<1x16xf32>,
        %parallel_loop3A_284 = vector.shape_cast %parallel_loop3A_283 : vector<1x16xf32> to vector<16xf32>
        %parallel_loop3A_285 = arith.subf %parallel_loop3A_272, %parallel_loop3A_284 : vector<16xf32>
        %parallel_loop3A_286 = arith.mulf %parallel_loop3A_285, %parallel_loop3A_285 : vector<16xf32>
        %parallel_loop3A_287 = arith.constant 16 : i32
        %parallel_loop3A_288 = arith.muli %parallel_loop3A_181, %parallel_loop3A_287 : i32
        %parallel_loop3A_289 = arith.constant 0 : i32
        %parallel_loop3A_290 = arith.constant 4 : i32
        %parallel_loop3A_291 = arith.constant 0 : i32
        %parallel_loop3A_292 = arith.constant 0 : i32
        %parallel_loop3A_293 = tpu.memref_slice %arg5[%parallel_loop3A_289, %parallel_loop3A_291, %parallel_loop3A_292] : memref<2x16x1024xf32, #tpu.memory_space<vmem>> -> memref<1x16x1024xf32, #tpu.memory_space<vmem>>
        %parallel_loop3A_294 = tpu.memref_squeeze %parallel_loop3A_293 : memref<1x16x1024xf32, #tpu.memory_space<vmem>> -> memref<16x1024xf32, #tpu.memory_space<vmem>>
        %parallel_loop3A_295 = arith.index_cast %parallel_loop3A_290 : i32 to index
        %parallel_loop3A_296 = arith.index_cast %parallel_loop3A_288 : i32 to index
        %parallel_loop3A_297 = tpu.vector_load %parallel_loop3A_294[%parallel_loop3A_295, %parallel_loop3A_296] {strides = array<i32>} : memref<16x1024xf32, #tpu.memory_space<vmem>>, vector<1x16xf32>,
        %parallel_loop3A_298 = vector.shape_cast %parallel_loop3A_297 : vector<1x16xf32> to vector<16xf32>
        %parallel_loop3A_299 = arith.constant 16 : i32
        %parallel_loop3A_300 = arith.muli %parallel_loop3A_181, %parallel_loop3A_299 : i32
        %parallel_loop3A_301 = arith.constant 0 : i32
        %parallel_loop3A_302 = arith.constant 4 : i32
        %parallel_loop3A_303 = arith.constant 0 : i32
        %parallel_loop3A_304 = arith.constant 0 : i32
        %parallel_loop3A_305 = tpu.memref_slice %arg6[%parallel_loop3A_301, %parallel_loop3A_303, %parallel_loop3A_304] : memref<2x16x1024xf32, #tpu.memory_space<vmem>> -> memref<1x16x1024xf32, #tpu.memory_space<vmem>>
        %parallel_loop3A_306 = tpu.memref_squeeze %parallel_loop3A_305 : memref<1x16x1024xf32, #tpu.memory_space<vmem>> -> memref<16x1024xf32, #tpu.memory_space<vmem>>
        %parallel_loop3A_307 = arith.index_cast %parallel_loop3A_302 : i32 to index
        %parallel_loop3A_308 = arith.index_cast %parallel_loop3A_300 : i32 to index
        %parallel_loop3A_309 = tpu.vector_load %parallel_loop3A_306[%parallel_loop3A_307, %parallel_loop3A_308] {strides = array<i32>} : memref<16x1024xf32, #tpu.memory_space<vmem>>, vector<1x16xf32>,
        %parallel_loop3A_310 = vector.shape_cast %parallel_loop3A_309 : vector<1x16xf32> to vector<16xf32>
        %parallel_loop3A_311 = arith.subf %parallel_loop3A_298, %parallel_loop3A_310 : vector<16xf32>
        %parallel_loop3A_312 = arith.mulf %parallel_loop3A_311, %parallel_loop3A_311 : vector<16xf32>
        %parallel_loop3A_313 = arith.constant 16 : i32
        %parallel_loop3A_314 = arith.muli %parallel_loop3A_181, %parallel_loop3A_313 : i32
        %parallel_loop3A_315 = arith.constant 0 : i32
        %parallel_loop3A_316 = arith.constant 5 : i32
        %parallel_loop3A_317 = arith.constant 0 : i32
        %parallel_loop3A_318 = arith.constant 0 : i32
        %parallel_loop3A_319 = tpu.memref_slice %arg5[%parallel_loop3A_315, %parallel_loop3A_317, %parallel_loop3A_318] : memref<2x16x1024xf32, #tpu.memory_space<vmem>> -> memref<1x16x1024xf32, #tpu.memory_space<vmem>>
        %parallel_loop3A_320 = tpu.memref_squeeze %parallel_loop3A_319 : memref<1x16x1024xf32, #tpu.memory_space<vmem>> -> memref<16x1024xf32, #tpu.memory_space<vmem>>
        %parallel_loop3A_321 = arith.index_cast %parallel_loop3A_316 : i32 to index
        %parallel_loop3A_322 = arith.index_cast %parallel_loop3A_314 : i32 to index
        %parallel_loop3A_323 = tpu.vector_load %parallel_loop3A_320[%parallel_loop3A_321, %parallel_loop3A_322] {strides = array<i32>} : memref<16x1024xf32, #tpu.memory_space<vmem>>, vector<1x16xf32>,
        %parallel_loop3A_324 = vector.shape_cast %parallel_loop3A_323 : vector<1x16xf32> to vector<16xf32>
        %parallel_loop3A_325 = arith.constant 16 : i32
        %parallel_loop3A_326 = arith.muli %parallel_loop3A_181, %parallel_loop3A_325 : i32
        %parallel_loop3A_327 = arith.constant 0 : i32
        %parallel_loop3A_328 = arith.constant 5 : i32
        %parallel_loop3A_329 = arith.constant 0 : i32
        %parallel_loop3A_330 = arith.constant 0 : i32
        %parallel_loop3A_331 = tpu.memref_slice %arg6[%parallel_loop3A_327, %parallel_loop3A_329, %parallel_loop3A_330] : memref<2x16x1024xf32, #tpu.memory_space<vmem>> -> memref<1x16x1024xf32, #tpu.memory_space<vmem>>
        %parallel_loop3A_332 = tpu.memref_squeeze %parallel_loop3A_331 : memref<1x16x1024xf32, #tpu.memory_space<vmem>> -> memref<16x1024xf32, #tpu.memory_space<vmem>>
        %parallel_loop3A_333 = arith.index_cast %parallel_loop3A_328 : i32 to index
        %parallel_loop3A_334 = arith.index_cast %parallel_loop3A_326 : i32 to index
        %parallel_loop3A_335 = tpu.vector_load %parallel_loop3A_332[%parallel_loop3A_333, %parallel_loop3A_334] {strides = array<i32>} : memref<16x1024xf32, #tpu.memory_space<vmem>>, vector<1x16xf32>,
        %parallel_loop3A_336 = vector.shape_cast %parallel_loop3A_335 : vector<1x16xf32> to vector<16xf32>
        %parallel_loop3A_337 = arith.subf %parallel_loop3A_324, %parallel_loop3A_336 : vector<16xf32>
        %parallel_loop3A_338 = arith.mulf %parallel_loop3A_337, %parallel_loop3A_337 : vector<16xf32>
        %parallel_loop3A_339 = arith.constant 16 : i32
        %parallel_loop3A_340 = arith.muli %parallel_loop3A_181, %parallel_loop3A_339 : i32
        %parallel_loop3A_341 = arith.constant 0 : i32
        %parallel_loop3A_342 = arith.constant 6 : i32
        %parallel_loop3A_343 = arith.constant 0 : i32
        %parallel_loop3A_344 = arith.constant 0 : i32
        %parallel_loop3A_345 = tpu.memref_slice %arg5[%parallel_loop3A_341, %parallel_loop3A_343, %parallel_loop3A_344] : memref<2x16x1024xf32, #tpu.memory_space<vmem>> -> memref<1x16x1024xf32, #tpu.memory_space<vmem>>
        %parallel_loop3A_346 = tpu.memref_squeeze %parallel_loop3A_345 : memref<1x16x1024xf32, #tpu.memory_space<vmem>> -> memref<16x1024xf32, #tpu.memory_space<vmem>>
        %parallel_loop3A_347 = arith.index_cast %parallel_loop3A_342 : i32 to index
        %parallel_loop3A_348 = arith.index_cast %parallel_loop3A_340 : i32 to index
        %parallel_loop3A_349 = tpu.vector_load %parallel_loop3A_346[%parallel_loop3A_347, %parallel_loop3A_348] {strides = array<i32>} : memref<16x1024xf32, #tpu.memory_space<vmem>>, vector<1x16xf32>,
        %parallel_loop3A_350 = vector.shape_cast %parallel_loop3A_349 : vector<1x16xf32> to vector<16xf32>
        %parallel_loop3A_351 = arith.constant 16 : i32
        %parallel_loop3A_352 = arith.muli %parallel_loop3A_181, %parallel_loop3A_351 : i32
        %parallel_loop3A_353 = arith.constant 0 : i32
        %parallel_loop3A_354 = arith.constant 6 : i32
        %parallel_loop3A_355 = arith.constant 0 : i32
        %parallel_loop3A_356 = arith.constant 0 : i32
        %parallel_loop3A_357 = tpu.memref_slice %arg6[%parallel_loop3A_353, %parallel_loop3A_355, %parallel_loop3A_356] : memref<2x16x1024xf32, #tpu.memory_space<vmem>> -> memref<1x16x1024xf32, #tpu.memory_space<vmem>>
        %parallel_loop3A_358 = tpu.memref_squeeze %parallel_loop3A_357 : memref<1x16x1024xf32, #tpu.memory_space<vmem>> -> memref<16x1024xf32, #tpu.memory_space<vmem>>
        %parallel_loop3A_359 = arith.index_cast %parallel_loop3A_354 : i32 to index
        %parallel_loop3A_360 = arith.index_cast %parallel_loop3A_352 : i32 to index
        %parallel_loop3A_361 = tpu.vector_load %parallel_loop3A_358[%parallel_loop3A_359, %parallel_loop3A_360] {strides = array<i32>} : memref<16x1024xf32, #tpu.memory_space<vmem>>, vector<1x16xf32>,
        %parallel_loop3A_362 = vector.shape_cast %parallel_loop3A_361 : vector<1x16xf32> to vector<16xf32>
        %parallel_loop3A_363 = arith.subf %parallel_loop3A_350, %parallel_loop3A_362 : vector<16xf32>
        %parallel_loop3A_364 = arith.mulf %parallel_loop3A_363, %parallel_loop3A_363 : vector<16xf32>
        %parallel_loop3A_365 = arith.constant 16 : i32
        %parallel_loop3A_366 = arith.muli %parallel_loop3A_181, %parallel_loop3A_365 : i32
        %parallel_loop3A_367 = arith.constant 0 : i32
        %parallel_loop3A_368 = arith.constant 7 : i32
        %parallel_loop3A_369 = arith.constant 0 : i32
        %parallel_loop3A_370 = arith.constant 0 : i32
        %parallel_loop3A_371 = tpu.memref_slice %arg5[%parallel_loop3A_367, %parallel_loop3A_369, %parallel_loop3A_370] : memref<2x16x1024xf32, #tpu.memory_space<vmem>> -> memref<1x16x1024xf32, #tpu.memory_space<vmem>>
        %parallel_loop3A_372 = tpu.memref_squeeze %parallel_loop3A_371 : memref<1x16x1024xf32, #tpu.memory_space<vmem>> -> memref<16x1024xf32, #tpu.memory_space<vmem>>
        %parallel_loop3A_373 = arith.index_cast %parallel_loop3A_368 : i32 to index
        %parallel_loop3A_374 = arith.index_cast %parallel_loop3A_366 : i32 to index
        %parallel_loop3A_375 = tpu.vector_load %parallel_loop3A_372[%parallel_loop3A_373, %parallel_loop3A_374] {strides = array<i32>} : memref<16x1024xf32, #tpu.memory_space<vmem>>, vector<1x16xf32>,
        %parallel_loop3A_376 = vector.shape_cast %parallel_loop3A_375 : vector<1x16xf32> to vector<16xf32>
        %parallel_loop3A_377 = arith.constant 16 : i32
        %parallel_loop3A_378 = arith.muli %parallel_loop3A_181, %parallel_loop3A_377 : i32
        %parallel_loop3A_379 = arith.constant 0 : i32
        %parallel_loop3A_380 = arith.constant 7 : i32
        %parallel_loop3A_381 = arith.constant 0 : i32
        %parallel_loop3A_382 = arith.constant 0 : i32
        %parallel_loop3A_383 = tpu.memref_slice %arg6[%parallel_loop3A_379, %parallel_loop3A_381, %parallel_loop3A_382] : memref<2x16x1024xf32, #tpu.memory_space<vmem>> -> memref<1x16x1024xf32, #tpu.memory_space<vmem>>
        %parallel_loop3A_384 = tpu.memref_squeeze %parallel_loop3A_383 : memref<1x16x1024xf32, #tpu.memory_space<vmem>> -> memref<16x1024xf32, #tpu.memory_space<vmem>>
        %parallel_loop3A_385 = arith.index_cast %parallel_loop3A_380 : i32 to index
        %parallel_loop3A_386 = arith.index_cast %parallel_loop3A_378 : i32 to index
        %parallel_loop3A_387 = tpu.vector_load %parallel_loop3A_384[%parallel_loop3A_385, %parallel_loop3A_386] {strides = array<i32>} : memref<16x1024xf32, #tpu.memory_space<vmem>>, vector<1x16xf32>,
        %parallel_loop3A_388 = vector.shape_cast %parallel_loop3A_387 : vector<1x16xf32> to vector<16xf32>
        %parallel_loop3A_389 = arith.subf %parallel_loop3A_376, %parallel_loop3A_388 : vector<16xf32>
        %parallel_loop3A_390 = arith.mulf %parallel_loop3A_389, %parallel_loop3A_389 : vector<16xf32>
        %parallel_loop3A_391 = arith.constant 16 : i32
        %parallel_loop3A_392 = arith.muli %parallel_loop3A_181, %parallel_loop3A_391 : i32
        %parallel_loop3A_393 = arith.constant 0 : i32
        %parallel_loop3A_394 = arith.constant 8 : i32
        %parallel_loop3A_395 = arith.constant 0 : i32
        %parallel_loop3A_396 = arith.constant 0 : i32
        %parallel_loop3A_397 = tpu.memref_slice %arg5[%parallel_loop3A_393, %parallel_loop3A_395, %parallel_loop3A_396] : memref<2x16x1024xf32, #tpu.memory_space<vmem>> -> memref<1x16x1024xf32, #tpu.memory_space<vmem>>
        %parallel_loop3A_398 = tpu.memref_squeeze %parallel_loop3A_397 : memref<1x16x1024xf32, #tpu.memory_space<vmem>> -> memref<16x1024xf32, #tpu.memory_space<vmem>>
        %parallel_loop3A_399 = arith.index_cast %parallel_loop3A_394 : i32 to index
        %parallel_loop3A_400 = arith.index_cast %parallel_loop3A_392 : i32 to index
        %parallel_loop3A_401 = tpu.vector_load %parallel_loop3A_398[%parallel_loop3A_399, %parallel_loop3A_400] {strides = array<i32>} : memref<16x1024xf32, #tpu.memory_space<vmem>>, vector<1x16xf32>,
        %parallel_loop3A_402 = vector.shape_cast %parallel_loop3A_401 : vector<1x16xf32> to vector<16xf32>
        %parallel_loop3A_403 = arith.constant 16 : i32
        %parallel_loop3A_404 = arith.muli %parallel_loop3A_181, %parallel_loop3A_403 : i32
        %parallel_loop3A_405 = arith.constant 0 : i32
        %parallel_loop3A_406 = arith.constant 8 : i32
        %parallel_loop3A_407 = arith.constant 0 : i32
        %parallel_loop3A_408 = arith.constant 0 : i32
        %parallel_loop3A_409 = tpu.memref_slice %arg6[%parallel_loop3A_405, %parallel_loop3A_407, %parallel_loop3A_408] : memref<2x16x1024xf32, #tpu.memory_space<vmem>> -> memref<1x16x1024xf32, #tpu.memory_space<vmem>>
        %parallel_loop3A_410 = tpu.memref_squeeze %parallel_loop3A_409 : memref<1x16x1024xf32, #tpu.memory_space<vmem>> -> memref<16x1024xf32, #tpu.memory_space<vmem>>
        %parallel_loop3A_411 = arith.index_cast %parallel_loop3A_406 : i32 to index
        %parallel_loop3A_412 = arith.index_cast %parallel_loop3A_404 : i32 to index
        %parallel_loop3A_413 = tpu.vector_load %parallel_loop3A_410[%parallel_loop3A_411, %parallel_loop3A_412] {strides = array<i32>} : memref<16x1024xf32, #tpu.memory_space<vmem>>, vector<1x16xf32>,
        %parallel_loop3A_414 = vector.shape_cast %parallel_loop3A_413 : vector<1x16xf32> to vector<16xf32>
        %parallel_loop3A_415 = arith.subf %parallel_loop3A_402, %parallel_loop3A_414 : vector<16xf32>
        %parallel_loop3A_416 = arith.mulf %parallel_loop3A_415, %parallel_loop3A_415 : vector<16xf32>
        %parallel_loop3A_417 = arith.constant 16 : i32
        %parallel_loop3A_418 = arith.muli %parallel_loop3A_181, %parallel_loop3A_417 : i32
        %parallel_loop3A_419 = arith.constant 0 : i32
        %parallel_loop3A_420 = arith.constant 9 : i32
        %parallel_loop3A_421 = arith.constant 0 : i32
        %parallel_loop3A_422 = arith.constant 0 : i32
        %parallel_loop3A_423 = tpu.memref_slice %arg5[%parallel_loop3A_419, %parallel_loop3A_421, %parallel_loop3A_422] : memref<2x16x1024xf32, #tpu.memory_space<vmem>> -> memref<1x16x1024xf32, #tpu.memory_space<vmem>>
        %parallel_loop3A_424 = tpu.memref_squeeze %parallel_loop3A_423 : memref<1x16x1024xf32, #tpu.memory_space<vmem>> -> memref<16x1024xf32, #tpu.memory_space<vmem>>
        %parallel_loop3A_425 = arith.index_cast %parallel_loop3A_420 : i32 to index
        %parallel_loop3A_426 = arith.index_cast %parallel_loop3A_418 : i32 to index
        %parallel_loop3A_427 = tpu.vector_load %parallel_loop3A_424[%parallel_loop3A_425, %parallel_loop3A_426] {strides = array<i32>} : memref<16x1024xf32, #tpu.memory_space<vmem>>, vector<1x16xf32>,
        %parallel_loop3A_428 = vector.shape_cast %parallel_loop3A_427 : vector<1x16xf32> to vector<16xf32>
        %parallel_loop3A_429 = arith.constant 16 : i32
        %parallel_loop3A_430 = arith.muli %parallel_loop3A_181, %parallel_loop3A_429 : i32
        %parallel_loop3A_431 = arith.constant 0 : i32
        %parallel_loop3A_432 = arith.constant 9 : i32
        %parallel_loop3A_433 = arith.constant 0 : i32
        %parallel_loop3A_434 = arith.constant 0 : i32
        %parallel_loop3A_435 = tpu.memref_slice %arg6[%parallel_loop3A_431, %parallel_loop3A_433, %parallel_loop3A_434] : memref<2x16x1024xf32, #tpu.memory_space<vmem>> -> memref<1x16x1024xf32, #tpu.memory_space<vmem>>
        %parallel_loop3A_436 = tpu.memref_squeeze %parallel_loop3A_435 : memref<1x16x1024xf32, #tpu.memory_space<vmem>> -> memref<16x1024xf32, #tpu.memory_space<vmem>>
        %parallel_loop3A_437 = arith.index_cast %parallel_loop3A_432 : i32 to index
        %parallel_loop3A_438 = arith.index_cast %parallel_loop3A_430 : i32 to index
        %parallel_loop3A_439 = tpu.vector_load %parallel_loop3A_436[%parallel_loop3A_437, %parallel_loop3A_438] {strides = array<i32>} : memref<16x1024xf32, #tpu.memory_space<vmem>>, vector<1x16xf32>,
        %parallel_loop3A_440 = vector.shape_cast %parallel_loop3A_439 : vector<1x16xf32> to vector<16xf32>
        %parallel_loop3A_441 = arith.subf %parallel_loop3A_428, %parallel_loop3A_440 : vector<16xf32>
        %parallel_loop3A_442 = arith.mulf %parallel_loop3A_441, %parallel_loop3A_441 : vector<16xf32>
        %parallel_loop3A_443 = arith.constant 16 : i32
        %parallel_loop3A_444 = arith.muli %parallel_loop3A_181, %parallel_loop3A_443 : i32
        %parallel_loop3A_445 = arith.constant 0 : i32
        %parallel_loop3A_446 = arith.constant 10 : i32
        %parallel_loop3A_447 = arith.constant 0 : i32
        %parallel_loop3A_448 = arith.constant 0 : i32
        %parallel_loop3A_449 = tpu.memref_slice %arg5[%parallel_loop3A_445, %parallel_loop3A_447, %parallel_loop3A_448] : memref<2x16x1024xf32, #tpu.memory_space<vmem>> -> memref<1x16x1024xf32, #tpu.memory_space<vmem>>
        %parallel_loop3A_450 = tpu.memref_squeeze %parallel_loop3A_449 : memref<1x16x1024xf32, #tpu.memory_space<vmem>> -> memref<16x1024xf32, #tpu.memory_space<vmem>>
        %parallel_loop3A_451 = arith.index_cast %parallel_loop3A_446 : i32 to index
        %parallel_loop3A_452 = arith.index_cast %parallel_loop3A_444 : i32 to index
        %parallel_loop3A_453 = tpu.vector_load %parallel_loop3A_450[%parallel_loop3A_451, %parallel_loop3A_452] {strides = array<i32>} : memref<16x1024xf32, #tpu.memory_space<vmem>>, vector<1x16xf32>,
        %parallel_loop3A_454 = vector.shape_cast %parallel_loop3A_453 : vector<1x16xf32> to vector<16xf32>
        %parallel_loop3A_455 = arith.constant 16 : i32
        %parallel_loop3A_456 = arith.muli %parallel_loop3A_181, %parallel_loop3A_455 : i32
        %parallel_loop3A_457 = arith.constant 0 : i32
        %parallel_loop3A_458 = arith.constant 10 : i32
        %parallel_loop3A_459 = arith.constant 0 : i32
        %parallel_loop3A_460 = arith.constant 0 : i32
        %parallel_loop3A_461 = tpu.memref_slice %arg6[%parallel_loop3A_457, %parallel_loop3A_459, %parallel_loop3A_460] : memref<2x16x1024xf32, #tpu.memory_space<vmem>> -> memref<1x16x1024xf32, #tpu.memory_space<vmem>>
        %parallel_loop3A_462 = tpu.memref_squeeze %parallel_loop3A_461 : memref<1x16x1024xf32, #tpu.memory_space<vmem>> -> memref<16x1024xf32, #tpu.memory_space<vmem>>
        %parallel_loop3A_463 = arith.index_cast %parallel_loop3A_458 : i32 to index
        %parallel_loop3A_464 = arith.index_cast %parallel_loop3A_456 : i32 to index
        %parallel_loop3A_465 = tpu.vector_load %parallel_loop3A_462[%parallel_loop3A_463, %parallel_loop3A_464] {strides = array<i32>} : memref<16x1024xf32, #tpu.memory_space<vmem>>, vector<1x16xf32>,
        %parallel_loop3A_466 = vector.shape_cast %parallel_loop3A_465 : vector<1x16xf32> to vector<16xf32>
        %parallel_loop3A_467 = arith.subf %parallel_loop3A_454, %parallel_loop3A_466 : vector<16xf32>
        %parallel_loop3A_468 = arith.mulf %parallel_loop3A_467, %parallel_loop3A_467 : vector<16xf32>
        %parallel_loop3A_469 = arith.constant 16 : i32
        %parallel_loop3A_470 = arith.muli %parallel_loop3A_181, %parallel_loop3A_469 : i32
        %parallel_loop3A_471 = arith.constant 0 : i32
        %parallel_loop3A_472 = arith.constant 11 : i32
        %parallel_loop3A_473 = arith.constant 0 : i32
        %parallel_loop3A_474 = arith.constant 0 : i32
        %parallel_loop3A_475 = tpu.memref_slice %arg5[%parallel_loop3A_471, %parallel_loop3A_473, %parallel_loop3A_474] : memref<2x16x1024xf32, #tpu.memory_space<vmem>> -> memref<1x16x1024xf32, #tpu.memory_space<vmem>>
        %parallel_loop3A_476 = tpu.memref_squeeze %parallel_loop3A_475 : memref<1x16x1024xf32, #tpu.memory_space<vmem>> -> memref<16x1024xf32, #tpu.memory_space<vmem>>
        %parallel_loop3A_477 = arith.index_cast %parallel_loop3A_472 : i32 to index
        %parallel_loop3A_478 = arith.index_cast %parallel_loop3A_470 : i32 to index
        %parallel_loop3A_479 = tpu.vector_load %parallel_loop3A_476[%parallel_loop3A_477, %parallel_loop3A_478] {strides = array<i32>} : memref<16x1024xf32, #tpu.memory_space<vmem>>, vector<1x16xf32>,
        %parallel_loop3A_480 = vector.shape_cast %parallel_loop3A_479 : vector<1x16xf32> to vector<16xf32>
        %parallel_loop3A_481 = arith.constant 16 : i32
        %parallel_loop3A_482 = arith.muli %parallel_loop3A_181, %parallel_loop3A_481 : i32
        %parallel_loop3A_483 = arith.constant 0 : i32
        %parallel_loop3A_484 = arith.constant 11 : i32
        %parallel_loop3A_485 = arith.constant 0 : i32
        %parallel_loop3A_486 = arith.constant 0 : i32
        %parallel_loop3A_487 = tpu.memref_slice %arg6[%parallel_loop3A_483, %parallel_loop3A_485, %parallel_loop3A_486] : memref<2x16x1024xf32, #tpu.memory_space<vmem>> -> memref<1x16x1024xf32, #tpu.memory_space<vmem>>
        %parallel_loop3A_488 = tpu.memref_squeeze %parallel_loop3A_487 : memref<1x16x1024xf32, #tpu.memory_space<vmem>> -> memref<16x1024xf32, #tpu.memory_space<vmem>>
        %parallel_loop3A_489 = arith.index_cast %parallel_loop3A_484 : i32 to index
        %parallel_loop3A_490 = arith.index_cast %parallel_loop3A_482 : i32 to index
        %parallel_loop3A_491 = tpu.vector_load %parallel_loop3A_488[%parallel_loop3A_489, %parallel_loop3A_490] {strides = array<i32>} : memref<16x1024xf32, #tpu.memory_space<vmem>>, vector<1x16xf32>,
        %parallel_loop3A_492 = vector.shape_cast %parallel_loop3A_491 : vector<1x16xf32> to vector<16xf32>
        %parallel_loop3A_493 = arith.subf %parallel_loop3A_480, %parallel_loop3A_492 : vector<16xf32>
        %parallel_loop3A_494 = arith.mulf %parallel_loop3A_493, %parallel_loop3A_493 : vector<16xf32>
        %parallel_loop3A_495 = arith.constant 16 : i32
        %parallel_loop3A_496 = arith.muli %parallel_loop3A_181, %parallel_loop3A_495 : i32
        %parallel_loop3A_497 = arith.constant 0 : i32
        %parallel_loop3A_498 = arith.constant 12 : i32
        %parallel_loop3A_499 = arith.constant 0 : i32
        %parallel_loop3A_500 = arith.constant 0 : i32
        %parallel_loop3A_501 = tpu.memref_slice %arg5[%parallel_loop3A_497, %parallel_loop3A_499, %parallel_loop3A_500] : memref<2x16x1024xf32, #tpu.memory_space<vmem>> -> memref<1x16x1024xf32, #tpu.memory_space<vmem>>
        %parallel_loop3A_502 = tpu.memref_squeeze %parallel_loop3A_501 : memref<1x16x1024xf32, #tpu.memory_space<vmem>> -> memref<16x1024xf32, #tpu.memory_space<vmem>>
        %parallel_loop3A_503 = arith.index_cast %parallel_loop3A_498 : i32 to index
        %parallel_loop3A_504 = arith.index_cast %parallel_loop3A_496 : i32 to index
        %parallel_loop3A_505 = tpu.vector_load %parallel_loop3A_502[%parallel_loop3A_503, %parallel_loop3A_504] {strides = array<i32>} : memref<16x1024xf32, #tpu.memory_space<vmem>>, vector<1x16xf32>,
        %parallel_loop3A_506 = vector.shape_cast %parallel_loop3A_505 : vector<1x16xf32> to vector<16xf32>
        %parallel_loop3A_507 = arith.constant 16 : i32
        %parallel_loop3A_508 = arith.muli %parallel_loop3A_181, %parallel_loop3A_507 : i32
        %parallel_loop3A_509 = arith.constant 0 : i32
        %parallel_loop3A_510 = arith.constant 12 : i32
        %parallel_loop3A_511 = arith.constant 0 : i32
        %parallel_loop3A_512 = arith.constant 0 : i32
        %parallel_loop3A_513 = tpu.memref_slice %arg6[%parallel_loop3A_509, %parallel_loop3A_511, %parallel_loop3A_512] : memref<2x16x1024xf32, #tpu.memory_space<vmem>> -> memref<1x16x1024xf32, #tpu.memory_space<vmem>>
        %parallel_loop3A_514 = tpu.memref_squeeze %parallel_loop3A_513 : memref<1x16x1024xf32, #tpu.memory_space<vmem>> -> memref<16x1024xf32, #tpu.memory_space<vmem>>
        %parallel_loop3A_515 = arith.index_cast %parallel_loop3A_510 : i32 to index
        %parallel_loop3A_516 = arith.index_cast %parallel_loop3A_508 : i32 to index
        %parallel_loop3A_517 = tpu.vector_load %parallel_loop3A_514[%parallel_loop3A_515, %parallel_loop3A_516] {strides = array<i32>} : memref<16x1024xf32, #tpu.memory_space<vmem>>, vector<1x16xf32>,
        %parallel_loop3A_518 = vector.shape_cast %parallel_loop3A_517 : vector<1x16xf32> to vector<16xf32>
        %parallel_loop3A_519 = arith.subf %parallel_loop3A_506, %parallel_loop3A_518 : vector<16xf32>
        %parallel_loop3A_520 = arith.mulf %parallel_loop3A_519, %parallel_loop3A_519 : vector<16xf32>
        %parallel_loop3A_521 = arith.constant 16 : i32
        %parallel_loop3A_522 = arith.muli %parallel_loop3A_181, %parallel_loop3A_521 : i32
        %parallel_loop3A_523 = arith.constant 0 : i32
        %parallel_loop3A_524 = arith.constant 13 : i32
        %parallel_loop3A_525 = arith.constant 0 : i32
        %parallel_loop3A_526 = arith.constant 0 : i32
        %parallel_loop3A_527 = tpu.memref_slice %arg5[%parallel_loop3A_523, %parallel_loop3A_525, %parallel_loop3A_526] : memref<2x16x1024xf32, #tpu.memory_space<vmem>> -> memref<1x16x1024xf32, #tpu.memory_space<vmem>>
        %parallel_loop3A_528 = tpu.memref_squeeze %parallel_loop3A_527 : memref<1x16x1024xf32, #tpu.memory_space<vmem>> -> memref<16x1024xf32, #tpu.memory_space<vmem>>
        %parallel_loop3A_529 = arith.index_cast %parallel_loop3A_524 : i32 to index
        %parallel_loop3A_530 = arith.index_cast %parallel_loop3A_522 : i32 to index
        %parallel_loop3A_531 = tpu.vector_load %parallel_loop3A_528[%parallel_loop3A_529, %parallel_loop3A_530] {strides = array<i32>} : memref<16x1024xf32, #tpu.memory_space<vmem>>, vector<1x16xf32>,
        %parallel_loop3A_532 = vector.shape_cast %parallel_loop3A_531 : vector<1x16xf32> to vector<16xf32>
        %parallel_loop3A_533 = arith.constant 16 : i32
        %parallel_loop3A_534 = arith.muli %parallel_loop3A_181, %parallel_loop3A_533 : i32
        %parallel_loop3A_535 = arith.constant 0 : i32
        %parallel_loop3A_536 = arith.constant 13 : i32
        %parallel_loop3A_537 = arith.constant 0 : i32
        %parallel_loop3A_538 = arith.constant 0 : i32
        %parallel_loop3A_539 = tpu.memref_slice %arg6[%parallel_loop3A_535, %parallel_loop3A_537, %parallel_loop3A_538] : memref<2x16x1024xf32, #tpu.memory_space<vmem>> -> memref<1x16x1024xf32, #tpu.memory_space<vmem>>
        %parallel_loop3A_540 = tpu.memref_squeeze %parallel_loop3A_539 : memref<1x16x1024xf32, #tpu.memory_space<vmem>> -> memref<16x1024xf32, #tpu.memory_space<vmem>>
        %parallel_loop3A_541 = arith.index_cast %parallel_loop3A_536 : i32 to index
        %parallel_loop3A_542 = arith.index_cast %parallel_loop3A_534 : i32 to index
        %parallel_loop3A_543 = tpu.vector_load %parallel_loop3A_540[%parallel_loop3A_541, %parallel_loop3A_542] {strides = array<i32>} : memref<16x1024xf32, #tpu.memory_space<vmem>>, vector<1x16xf32>,
        %parallel_loop3A_544 = vector.shape_cast %parallel_loop3A_543 : vector<1x16xf32> to vector<16xf32>
        %parallel_loop3A_545 = arith.subf %parallel_loop3A_532, %parallel_loop3A_544 : vector<16xf32>
        %parallel_loop3A_546 = arith.mulf %parallel_loop3A_545, %parallel_loop3A_545 : vector<16xf32>
        %parallel_loop3A_547 = arith.constant 16 : i32
        %parallel_loop3A_548 = arith.muli %parallel_loop3A_181, %parallel_loop3A_547 : i32
        %parallel_loop3A_549 = arith.constant 0 : i32
        %parallel_loop3A_550 = arith.constant 14 : i32
        %parallel_loop3A_551 = arith.constant 0 : i32
        %parallel_loop3A_552 = arith.constant 0 : i32
        %parallel_loop3A_553 = tpu.memref_slice %arg5[%parallel_loop3A_549, %parallel_loop3A_551, %parallel_loop3A_552] : memref<2x16x1024xf32, #tpu.memory_space<vmem>> -> memref<1x16x1024xf32, #tpu.memory_space<vmem>>
        %parallel_loop3A_554 = tpu.memref_squeeze %parallel_loop3A_553 : memref<1x16x1024xf32, #tpu.memory_space<vmem>> -> memref<16x1024xf32, #tpu.memory_space<vmem>>
        %parallel_loop3A_555 = arith.index_cast %parallel_loop3A_550 : i32 to index
        %parallel_loop3A_556 = arith.index_cast %parallel_loop3A_548 : i32 to index
        %parallel_loop3A_557 = tpu.vector_load %parallel_loop3A_554[%parallel_loop3A_555, %parallel_loop3A_556] {strides = array<i32>} : memref<16x1024xf32, #tpu.memory_space<vmem>>, vector<1x16xf32>,
        %parallel_loop3A_558 = vector.shape_cast %parallel_loop3A_557 : vector<1x16xf32> to vector<16xf32>
        %parallel_loop3A_559 = arith.constant 16 : i32
        %parallel_loop3A_560 = arith.muli %parallel_loop3A_181, %parallel_loop3A_559 : i32
        %parallel_loop3A_561 = arith.constant 0 : i32
        %parallel_loop3A_562 = arith.constant 14 : i32
        %parallel_loop3A_563 = arith.constant 0 : i32
        %parallel_loop3A_564 = arith.constant 0 : i32
        %parallel_loop3A_565 = tpu.memref_slice %arg6[%parallel_loop3A_561, %parallel_loop3A_563, %parallel_loop3A_564] : memref<2x16x1024xf32, #tpu.memory_space<vmem>> -> memref<1x16x1024xf32, #tpu.memory_space<vmem>>
        %parallel_loop3A_566 = tpu.memref_squeeze %parallel_loop3A_565 : memref<1x16x1024xf32, #tpu.memory_space<vmem>> -> memref<16x1024xf32, #tpu.memory_space<vmem>>
        %parallel_loop3A_567 = arith.index_cast %parallel_loop3A_562 : i32 to index
        %parallel_loop3A_568 = arith.index_cast %parallel_loop3A_560 : i32 to index
        %parallel_loop3A_569 = tpu.vector_load %parallel_loop3A_566[%parallel_loop3A_567, %parallel_loop3A_568] {strides = array<i32>} : memref<16x1024xf32, #tpu.memory_space<vmem>>, vector<1x16xf32>,
        %parallel_loop3A_570 = vector.shape_cast %parallel_loop3A_569 : vector<1x16xf32> to vector<16xf32>
        %parallel_loop3A_571 = arith.subf %parallel_loop3A_558, %parallel_loop3A_570 : vector<16xf32>
        %parallel_loop3A_572 = arith.mulf %parallel_loop3A_571, %parallel_loop3A_571 : vector<16xf32>
        %parallel_loop3A_573 = arith.constant 16 : i32
        %parallel_loop3A_574 = arith.muli %parallel_loop3A_181, %parallel_loop3A_573 : i32
        %parallel_loop3A_575 = arith.constant 0 : i32
        %parallel_loop3A_576 = arith.constant 15 : i32
        %parallel_loop3A_577 = arith.constant 0 : i32
        %parallel_loop3A_578 = arith.constant 0 : i32
        %parallel_loop3A_579 = tpu.memref_slice %arg5[%parallel_loop3A_575, %parallel_loop3A_577, %parallel_loop3A_578] : memref<2x16x1024xf32, #tpu.memory_space<vmem>> -> memref<1x16x1024xf32, #tpu.memory_space<vmem>>
        %parallel_loop3A_580 = tpu.memref_squeeze %parallel_loop3A_579 : memref<1x16x1024xf32, #tpu.memory_space<vmem>> -> memref<16x1024xf32, #tpu.memory_space<vmem>>
        %parallel_loop3A_581 = arith.index_cast %parallel_loop3A_576 : i32 to index
        %parallel_loop3A_582 = arith.index_cast %parallel_loop3A_574 : i32 to index
        %parallel_loop3A_583 = tpu.vector_load %parallel_loop3A_580[%parallel_loop3A_581, %parallel_loop3A_582] {strides = array<i32>} : memref<16x1024xf32, #tpu.memory_space<vmem>>, vector<1x16xf32>,
        %parallel_loop3A_584 = vector.shape_cast %parallel_loop3A_583 : vector<1x16xf32> to vector<16xf32>
        %parallel_loop3A_585 = arith.constant 16 : i32
        %parallel_loop3A_586 = arith.muli %parallel_loop3A_181, %parallel_loop3A_585 : i32
        %parallel_loop3A_587 = arith.constant 0 : i32
        %parallel_loop3A_588 = arith.constant 15 : i32
        %parallel_loop3A_589 = arith.constant 0 : i32
        %parallel_loop3A_590 = arith.constant 0 : i32
        %parallel_loop3A_591 = tpu.memref_slice %arg6[%parallel_loop3A_587, %parallel_loop3A_589, %parallel_loop3A_590] : memref<2x16x1024xf32, #tpu.memory_space<vmem>> -> memref<1x16x1024xf32, #tpu.memory_space<vmem>>
        %parallel_loop3A_592 = tpu.memref_squeeze %parallel_loop3A_591 : memref<1x16x1024xf32, #tpu.memory_space<vmem>> -> memref<16x1024xf32, #tpu.memory_space<vmem>>
        %parallel_loop3A_593 = arith.index_cast %parallel_loop3A_588 : i32 to index
        %parallel_loop3A_594 = arith.index_cast %parallel_loop3A_586 : i32 to index
        %parallel_loop3A_595 = tpu.vector_load %parallel_loop3A_592[%parallel_loop3A_593, %parallel_loop3A_594] {strides = array<i32>} : memref<16x1024xf32, #tpu.memory_space<vmem>>, vector<1x16xf32>,
        %parallel_loop3A_596 = vector.shape_cast %parallel_loop3A_595 : vector<1x16xf32> to vector<16xf32>
        %parallel_loop3A_597 = arith.subf %parallel_loop3A_584, %parallel_loop3A_596 : vector<16xf32>
        %parallel_loop3A_598 = arith.mulf %parallel_loop3A_597, %parallel_loop3A_597 : vector<16xf32>
        %parallel_loop3A_599 = arith.addf %parallel_loop3A_208, %parallel_loop3A_234 : vector<16xf32>
        %parallel_loop3A_600 = arith.addf %parallel_loop3A_260, %parallel_loop3A_286 : vector<16xf32>
        %parallel_loop3A_601 = arith.addf %parallel_loop3A_312, %parallel_loop3A_338 : vector<16xf32>
        %parallel_loop3A_602 = arith.addf %parallel_loop3A_364, %parallel_loop3A_390 : vector<16xf32>
        %parallel_loop3A_603 = arith.addf %parallel_loop3A_416, %parallel_loop3A_442 : vector<16xf32>
        %parallel_loop3A_604 = arith.addf %parallel_loop3A_468, %parallel_loop3A_494 : vector<16xf32>
        %parallel_loop3A_605 = arith.addf %parallel_loop3A_520, %parallel_loop3A_546 : vector<16xf32>
        %parallel_loop3A_606 = arith.addf %parallel_loop3A_572, %parallel_loop3A_598 : vector<16xf32>
        %parallel_loop3A_607 = arith.addf %parallel_loop3A_599, %parallel_loop3A_600 : vector<16xf32>
        %parallel_loop3A_608 = arith.addf %parallel_loop3A_601, %parallel_loop3A_602 : vector<16xf32>
        %parallel_loop3A_609 = arith.addf %parallel_loop3A_603, %parallel_loop3A_604 : vector<16xf32>
        %parallel_loop3A_610 = arith.addf %parallel_loop3A_605, %parallel_loop3A_606 : vector<16xf32>
        %parallel_loop3A_611 = arith.addf %parallel_loop3A_607, %parallel_loop3A_608 : vector<16xf32>
        %parallel_loop3A_612 = arith.addf %parallel_loop3A_609, %parallel_loop3A_610 : vector<16xf32>
        %parallel_loop3A_613 = arith.addf %parallel_loop3A_611, %parallel_loop3A_612 : vector<16xf32>
        %parallel_loop3A_614 = arith.addf %parallel_loop3A_182, %parallel_loop3A_613 : vector<16xf32>
        scf.yield %parallel_loop3A_614 : vector<16xf32>
      } {sc.loop_unroll_factor = 2 : i64, sc.parallel_access}
      %get3A = arith.constant 0 : index
      %get3A_115 = tpu.vector_load %arg7[%get3A] {strides = array<i32>} : memref<16xf32, #tpu.memory_space<vmem>>, vector<16xf32>,
      %get3A_116 = vector.shape_cast %get3A_115 : vector<16xf32> to vector<16xf32>
      %add3A_117 = arith.addf %get3A_116, %parallel_loop3A_114 : vector<16xf32>
      %swap3A_118 = arith.constant 0 : index
      %swap3A_119 = tpu.vector_load %arg7[%swap3A_118] {strides = array<i32>} : memref<16xf32, #tpu.memory_space<vmem>>, vector<16xf32>,
      %swap3A_120 = vector.shape_cast %swap3A_119 : vector<16xf32> to vector<16xf32>
      %swap3A_121 = vector.shape_cast %add3A_117 : vector<16xf32> to vector<16xf32>
      tpu.vector_store %arg7[%swap3A_118], %swap3A_121 {strides = array<i32>} : memref<16xf32, #tpu.memory_space<vmem>>, vector<16xf32>,
      %add3A_122 = arith.constant 2 : i32
      %add3A_123 = arith.addi %add3A_78, %add3A_122 : i32
      %lt3A = arith.constant 64 : i32
      %lt3A_124 = arith.cmpi slt, %add3A_123, %lt3A : i32
      %convert_element_type3A = arith.extui %lt3A_124 : i1 to i32
      %cond3A = arith.constant 0 : i32
      %cond3A_125 = arith.cmpi ne, %convert_element_type3A, %cond3A : i32
      scf.if %cond3A_125 {
        %mul3A_181 = arith.constant 16 : i32
        %mul3A_182 = arith.muli %add3A_123, %mul3A_181 : i32
        %add3A_183 = arith.addi %add3A_4, %mul3A_182 : i32
        %dma_start3A_184 = arith.constant 0 : i32
        %dma_start3A_185 = arith.constant 0 : i32
        %dma_start3A_186 = arith.constant 0 : i32
        %dma_start3A_187 = tpu.memref_slice %arg5[%dma_start3A_184, %dma_start3A_185, %dma_start3A_186] : memref<2x16x1024xf32, #tpu.memory_space<vmem>> -> memref<1x16x1024xf32, #tpu.memory_space<vmem>>
        %dma_start3A_188 = tpu.memref_squeeze %dma_start3A_187 : memref<1x16x1024xf32, #tpu.memory_space<vmem>> -> memref<16x1024xf32, #tpu.memory_space<vmem>>
        %dma_start3A_189 = arith.constant 0 : i32
        %dma_start3A_190 = tpu.memref_slice %arg2[%add3A_183, %dma_start3A_189] : memref<65536x1024xf32, #tpu.memory_space<hbm>> -> memref<16x1024xf32, #tpu.memory_space<hbm>>
        %dma_start3A_191 = arith.constant 0 : i32
        %dma_start3A_192 = arith.constant 0 : i32
        %dma_start3A_193 = tpu.memref_slice %arg5[%dma_start3A_184, %dma_start3A_191, %dma_start3A_192] : memref<2x16x1024xf32, #tpu.memory_space<vmem>> -> memref<1x16x1024xf32, #tpu.memory_space<vmem>>
        %dma_start3A_194 = tpu.memref_squeeze %dma_start3A_193 : memref<1x16x1024xf32, #tpu.memory_space<vmem>> -> memref<16x1024xf32, #tpu.memory_space<vmem>>
        %dma_start3A_195 = arith.constant 0 : i32
        %dma_start3A_196 = tpu.memref_slice %arg2[%add3A_183, %dma_start3A_195] : memref<65536x1024xf32, #tpu.memory_space<hbm>> -> memref<16x1024xf32, #tpu.memory_space<hbm>>
        tpu.enqueue_dma source(%dma_start3A_196 : memref<16x1024xf32, #tpu.memory_space<hbm>>) target(%dma_start3A_194 : memref<16x1024xf32, #tpu.memory_space<vmem>>) target_semaphore(%arg8 : memref<!tpu.dma_semaphore, #tpu.memory_space<semaphore_mem>>)
        %mul3A_197 = arith.constant 16 : i32
        %mul3A_198 = arith.muli %add3A_123, %mul3A_197 : i32
        %add3A_199 = arith.addi %add3A_4, %mul3A_198 : i32
        %dma_start3A_200 = arith.constant 0 : i32
        %dma_start3A_201 = arith.constant 0 : i32
        %dma_start3A_202 = arith.constant 0 : i32
        %dma_start3A_203 = tpu.memref_slice %arg6[%dma_start3A_200, %dma_start3A_201, %dma_start3A_202] : memref<2x16x1024xf32, #tpu.memory_space<vmem>> -> memref<1x16x1024xf32, #tpu.memory_space<vmem>>
        %dma_start3A_204 = tpu.memref_squeeze %dma_start3A_203 : memref<1x16x1024xf32, #tpu.memory_space<vmem>> -> memref<16x1024xf32, #tpu.memory_space<vmem>>
        %dma_start3A_205 = arith.constant 0 : i32
        %dma_start3A_206 = tpu.memref_slice %arg3[%add3A_199, %dma_start3A_205] : memref<65536x1024xf32, #tpu.memory_space<hbm>> -> memref<16x1024xf32, #tpu.memory_space<hbm>>
        %dma_start3A_207 = arith.constant 0 : i32
        %dma_start3A_208 = arith.constant 0 : i32
        %dma_start3A_209 = tpu.memref_slice %arg6[%dma_start3A_200, %dma_start3A_207, %dma_start3A_208] : memref<2x16x1024xf32, #tpu.memory_space<vmem>> -> memref<1x16x1024xf32, #tpu.memory_space<vmem>>
        %dma_start3A_210 = tpu.memref_squeeze %dma_start3A_209 : memref<1x16x1024xf32, #tpu.memory_space<vmem>> -> memref<16x1024xf32, #tpu.memory_space<vmem>>
        %dma_start3A_211 = arith.constant 0 : i32
        %dma_start3A_212 = tpu.memref_slice %arg3[%add3A_199, %dma_start3A_211] : memref<65536x1024xf32, #tpu.memory_space<hbm>> -> memref<16x1024xf32, #tpu.memory_space<hbm>>
        tpu.enqueue_dma source(%dma_start3A_212 : memref<16x1024xf32, #tpu.memory_space<hbm>>) target(%dma_start3A_210 : memref<16x1024xf32, #tpu.memory_space<vmem>>) target_semaphore(%arg8 : memref<!tpu.dma_semaphore, #tpu.memory_space<semaphore_mem>>)
      } else {
      }
      %add3A_126 = arith.constant 1 : i32
      %add3A_127 = arith.addi %add3A_76, %add3A_126 : i32
      %mul3A_128 = arith.constant 16 : i32
      %mul3A_129 = arith.muli %add3A_127, %mul3A_128 : i32
      %add3A_130 = arith.addi %add3A_4, %mul3A_129 : i32
      %dma_wait3A_131 = arith.constant 1 : i32
      %dma_wait3A_132 = arith.constant 0 : i32
      %dma_wait3A_133 = arith.constant 0 : i32
      %dma_wait3A_134 = tpu.memref_slice %arg5[%dma_wait3A_131, %dma_wait3A_132, %dma_wait3A_133] : memref<2x16x1024xf32, #tpu.memory_space<vmem>> -> memref<1x16x1024xf32, #tpu.memory_space<vmem>>
      %dma_wait3A_135 = tpu.memref_squeeze %dma_wait3A_134 : memref<1x16x1024xf32, #tpu.memory_space<vmem>> -> memref<16x1024xf32, #tpu.memory_space<vmem>>
      %dma_wait3A_136 = arith.constant 0 : i32
      %dma_wait3A_137 = tpu.memref_slice %arg2[%add3A_130, %dma_wait3A_136] : memref<65536x1024xf32, #tpu.memory_space<hbm>> -> memref<16x1024xf32, #tpu.memory_space<hbm>>
      %dma_wait3A_138 = arith.constant 0 : i32
      %dma_wait3A_139 = arith.constant 0 : i32
      %dma_wait3A_140 = tpu.memref_slice %arg5[%dma_wait3A_131, %dma_wait3A_138, %dma_wait3A_139] : memref<2x16x1024xf32, #tpu.memory_space<vmem>> -> memref<1x16x1024xf32, #tpu.memory_space<vmem>>
      %dma_wait3A_141 = tpu.memref_squeeze %dma_wait3A_140 : memref<1x16x1024xf32, #tpu.memory_space<vmem>> -> memref<16x1024xf32, #tpu.memory_space<vmem>>
      %dma_wait3A_142 = arith.constant 0 : i32
      %dma_wait3A_143 = tpu.memref_slice %arg2[%add3A_130, %dma_wait3A_142] : memref<65536x1024xf32, #tpu.memory_space<hbm>> -> memref<16x1024xf32, #tpu.memory_space<hbm>>
      tpu.wait_dma2 semaphore(%arg9 : memref<!tpu.dma_semaphore, #tpu.memory_space<semaphore_mem>>) src(%dma_wait3A_143 : memref<16x1024xf32, #tpu.memory_space<hbm>>) dst(%dma_wait3A_141 : memref<16x1024xf32, #tpu.memory_space<vmem>>)
      %mul3A_144 = arith.constant 16 : i32
      %mul3A_145 = arith.muli %add3A_127, %mul3A_144 : i32
      %add3A_146 = arith.addi %add3A_4, %mul3A_145 : i32
      %dma_wait3A_147 = arith.constant 1 : i32
      %dma_wait3A_148 = arith.constant 0 : i32
      %dma_wait3A_149 = arith.constant 0 : i32
      %dma_wait3A_150 = tpu.memref_slice %arg6[%dma_wait3A_147, %dma_wait3A_148, %dma_wait3A_149] : memref<2x16x1024xf32, #tpu.memory_space<vmem>> -> memref<1x16x1024xf32, #tpu.memory_space<vmem>>
      %dma_wait3A_151 = tpu.memref_squeeze %dma_wait3A_150 : memref<1x16x1024xf32, #tpu.memory_space<vmem>> -> memref<16x1024xf32, #tpu.memory_space<vmem>>
      %dma_wait3A_152 = arith.constant 0 : i32
      %dma_wait3A_153 = tpu.memref_slice %arg3[%add3A_146, %dma_wait3A_152] : memref<65536x1024xf32, #tpu.memory_space<hbm>> -> memref<16x1024xf32, #tpu.memory_space<hbm>>
      %dma_wait3A_154 = arith.constant 0 : i32
      %dma_wait3A_155 = arith.constant 0 : i32
      %dma_wait3A_156 = tpu.memref_slice %arg6[%dma_wait3A_147, %dma_wait3A_154, %dma_wait3A_155] : memref<2x16x1024xf32, #tpu.memory_space<vmem>> -> memref<1x16x1024xf32, #tpu.memory_space<vmem>>
      %dma_wait3A_157 = tpu.memref_squeeze %dma_wait3A_156 : memref<1x16x1024xf32, #tpu.memory_space<vmem>> -> memref<16x1024xf32, #tpu.memory_space<vmem>>
      %dma_wait3A_158 = arith.constant 0 : i32
      %dma_wait3A_159 = tpu.memref_slice %arg3[%add3A_146, %dma_wait3A_158] : memref<65536x1024xf32, #tpu.memory_space<hbm>> -> memref<16x1024xf32, #tpu.memory_space<hbm>>
      tpu.wait_dma2 semaphore(%arg9 : memref<!tpu.dma_semaphore, #tpu.memory_space<semaphore_mem>>) src(%dma_wait3A_159 : memref<16x1024xf32, #tpu.memory_space<hbm>>) dst(%dma_wait3A_157 : memref<16x1024xf32, #tpu.memory_space<vmem>>)
      %broadcast_in_dim3A_160 = arith.constant 0.000000e+00 : f32
      %broadcast_in_dim3A_161 = vector.broadcast %broadcast_in_dim3A_160 : f32 to vector<16xf32>
      %parallel_loop3A_162 = arith.constant 0 : i32
      %parallel_loop3A_163 = arith.constant 64 : i32
      %parallel_loop3A_164 = arith.constant 1 : i32
      %parallel_loop3A_165 = scf.for %parallel_loop3A_181 = %parallel_loop3A_162 to %parallel_loop3A_163 step %parallel_loop3A_164 iter_args(%parallel_loop3A_182 = %broadcast_in_dim3A_161) -> (vector<16xf32>)  : i32 {
        %parallel_loop3A_183 = arith.constant 16 : i32
        %parallel_loop3A_184 = arith.muli %parallel_loop3A_181, %parallel_loop3A_183 : i32
        %parallel_loop3A_185 = arith.constant 1 : i32
        %parallel_loop3A_186 = arith.constant 0 : i32
        %parallel_loop3A_187 = arith.constant 0 : i32
        %parallel_loop3A_188 = arith.constant 0 : i32
        %parallel_loop3A_189 = tpu.memref_slice %arg5[%parallel_loop3A_185, %parallel_loop3A_187, %parallel_loop3A_188] : memref<2x16x1024xf32, #tpu.memory_space<vmem>> -> memref<1x16x1024xf32, #tpu.memory_space<vmem>>
        %parallel_loop3A_190 = tpu.memref_squeeze %parallel_loop3A_189 : memref<1x16x1024xf32, #tpu.memory_space<vmem>> -> memref<16x1024xf32, #tpu.memory_space<vmem>>
        %parallel_loop3A_191 = arith.index_cast %parallel_loop3A_186 : i32 to index
        %parallel_loop3A_192 = arith.index_cast %parallel_loop3A_184 : i32 to index
        %parallel_loop3A_193 = tpu.vector_load %parallel_loop3A_190[%parallel_loop3A_191, %parallel_loop3A_192] {strides = array<i32>} : memref<16x1024xf32, #tpu.memory_space<vmem>>, vector<1x16xf32>,
        %parallel_loop3A_194 = vector.shape_cast %parallel_loop3A_193 : vector<1x16xf32> to vector<16xf32>
        %parallel_loop3A_195 = arith.constant 16 : i32
        %parallel_loop3A_196 = arith.muli %parallel_loop3A_181, %parallel_loop3A_195 : i32
        %parallel_loop3A_197 = arith.constant 1 : i32
        %parallel_loop3A_198 = arith.constant 0 : i32
        %parallel_loop3A_199 = arith.constant 0 : i32
        %parallel_loop3A_200 = arith.constant 0 : i32
        %parallel_loop3A_201 = tpu.memref_slice %arg6[%parallel_loop3A_197, %parallel_loop3A_199, %parallel_loop3A_200] : memref<2x16x1024xf32, #tpu.memory_space<vmem>> -> memref<1x16x1024xf32, #tpu.memory_space<vmem>>
        %parallel_loop3A_202 = tpu.memref_squeeze %parallel_loop3A_201 : memref<1x16x1024xf32, #tpu.memory_space<vmem>> -> memref<16x1024xf32, #tpu.memory_space<vmem>>
        %parallel_loop3A_203 = arith.index_cast %parallel_loop3A_198 : i32 to index
        %parallel_loop3A_204 = arith.index_cast %parallel_loop3A_196 : i32 to index
        %parallel_loop3A_205 = tpu.vector_load %parallel_loop3A_202[%parallel_loop3A_203, %parallel_loop3A_204] {strides = array<i32>} : memref<16x1024xf32, #tpu.memory_space<vmem>>, vector<1x16xf32>,
        %parallel_loop3A_206 = vector.shape_cast %parallel_loop3A_205 : vector<1x16xf32> to vector<16xf32>
        %parallel_loop3A_207 = arith.subf %parallel_loop3A_194, %parallel_loop3A_206 : vector<16xf32>
        %parallel_loop3A_208 = arith.mulf %parallel_loop3A_207, %parallel_loop3A_207 : vector<16xf32>
        %parallel_loop3A_209 = arith.constant 16 : i32
        %parallel_loop3A_210 = arith.muli %parallel_loop3A_181, %parallel_loop3A_209 : i32
        %parallel_loop3A_211 = arith.constant 1 : i32
        %parallel_loop3A_212 = arith.constant 1 : i32
        %parallel_loop3A_213 = arith.constant 0 : i32
        %parallel_loop3A_214 = arith.constant 0 : i32
        %parallel_loop3A_215 = tpu.memref_slice %arg5[%parallel_loop3A_211, %parallel_loop3A_213, %parallel_loop3A_214] : memref<2x16x1024xf32, #tpu.memory_space<vmem>> -> memref<1x16x1024xf32, #tpu.memory_space<vmem>>
        %parallel_loop3A_216 = tpu.memref_squeeze %parallel_loop3A_215 : memref<1x16x1024xf32, #tpu.memory_space<vmem>> -> memref<16x1024xf32, #tpu.memory_space<vmem>>
        %parallel_loop3A_217 = arith.index_cast %parallel_loop3A_212 : i32 to index
        %parallel_loop3A_218 = arith.index_cast %parallel_loop3A_210 : i32 to index
        %parallel_loop3A_219 = tpu.vector_load %parallel_loop3A_216[%parallel_loop3A_217, %parallel_loop3A_218] {strides = array<i32>} : memref<16x1024xf32, #tpu.memory_space<vmem>>, vector<1x16xf32>,
        %parallel_loop3A_220 = vector.shape_cast %parallel_loop3A_219 : vector<1x16xf32> to vector<16xf32>
        %parallel_loop3A_221 = arith.constant 16 : i32
        %parallel_loop3A_222 = arith.muli %parallel_loop3A_181, %parallel_loop3A_221 : i32
        %parallel_loop3A_223 = arith.constant 1 : i32
        %parallel_loop3A_224 = arith.constant 1 : i32
        %parallel_loop3A_225 = arith.constant 0 : i32
        %parallel_loop3A_226 = arith.constant 0 : i32
        %parallel_loop3A_227 = tpu.memref_slice %arg6[%parallel_loop3A_223, %parallel_loop3A_225, %parallel_loop3A_226] : memref<2x16x1024xf32, #tpu.memory_space<vmem>> -> memref<1x16x1024xf32, #tpu.memory_space<vmem>>
        %parallel_loop3A_228 = tpu.memref_squeeze %parallel_loop3A_227 : memref<1x16x1024xf32, #tpu.memory_space<vmem>> -> memref<16x1024xf32, #tpu.memory_space<vmem>>
        %parallel_loop3A_229 = arith.index_cast %parallel_loop3A_224 : i32 to index
        %parallel_loop3A_230 = arith.index_cast %parallel_loop3A_222 : i32 to index
        %parallel_loop3A_231 = tpu.vector_load %parallel_loop3A_228[%parallel_loop3A_229, %parallel_loop3A_230] {strides = array<i32>} : memref<16x1024xf32, #tpu.memory_space<vmem>>, vector<1x16xf32>,
        %parallel_loop3A_232 = vector.shape_cast %parallel_loop3A_231 : vector<1x16xf32> to vector<16xf32>
        %parallel_loop3A_233 = arith.subf %parallel_loop3A_220, %parallel_loop3A_232 : vector<16xf32>
        %parallel_loop3A_234 = arith.mulf %parallel_loop3A_233, %parallel_loop3A_233 : vector<16xf32>
        %parallel_loop3A_235 = arith.constant 16 : i32
        %parallel_loop3A_236 = arith.muli %parallel_loop3A_181, %parallel_loop3A_235 : i32
        %parallel_loop3A_237 = arith.constant 1 : i32
        %parallel_loop3A_238 = arith.constant 2 : i32
        %parallel_loop3A_239 = arith.constant 0 : i32
        %parallel_loop3A_240 = arith.constant 0 : i32
        %parallel_loop3A_241 = tpu.memref_slice %arg5[%parallel_loop3A_237, %parallel_loop3A_239, %parallel_loop3A_240] : memref<2x16x1024xf32, #tpu.memory_space<vmem>> -> memref<1x16x1024xf32, #tpu.memory_space<vmem>>
        %parallel_loop3A_242 = tpu.memref_squeeze %parallel_loop3A_241 : memref<1x16x1024xf32, #tpu.memory_space<vmem>> -> memref<16x1024xf32, #tpu.memory_space<vmem>>
        %parallel_loop3A_243 = arith.index_cast %parallel_loop3A_238 : i32 to index
        %parallel_loop3A_244 = arith.index_cast %parallel_loop3A_236 : i32 to index
        %parallel_loop3A_245 = tpu.vector_load %parallel_loop3A_242[%parallel_loop3A_243, %parallel_loop3A_244] {strides = array<i32>} : memref<16x1024xf32, #tpu.memory_space<vmem>>, vector<1x16xf32>,
        %parallel_loop3A_246 = vector.shape_cast %parallel_loop3A_245 : vector<1x16xf32> to vector<16xf32>
        %parallel_loop3A_247 = arith.constant 16 : i32
        %parallel_loop3A_248 = arith.muli %parallel_loop3A_181, %parallel_loop3A_247 : i32
        %parallel_loop3A_249 = arith.constant 1 : i32
        %parallel_loop3A_250 = arith.constant 2 : i32
        %parallel_loop3A_251 = arith.constant 0 : i32
        %parallel_loop3A_252 = arith.constant 0 : i32
        %parallel_loop3A_253 = tpu.memref_slice %arg6[%parallel_loop3A_249, %parallel_loop3A_251, %parallel_loop3A_252] : memref<2x16x1024xf32, #tpu.memory_space<vmem>> -> memref<1x16x1024xf32, #tpu.memory_space<vmem>>
        %parallel_loop3A_254 = tpu.memref_squeeze %parallel_loop3A_253 : memref<1x16x1024xf32, #tpu.memory_space<vmem>> -> memref<16x1024xf32, #tpu.memory_space<vmem>>
        %parallel_loop3A_255 = arith.index_cast %parallel_loop3A_250 : i32 to index
        %parallel_loop3A_256 = arith.index_cast %parallel_loop3A_248 : i32 to index
        %parallel_loop3A_257 = tpu.vector_load %parallel_loop3A_254[%parallel_loop3A_255, %parallel_loop3A_256] {strides = array<i32>} : memref<16x1024xf32, #tpu.memory_space<vmem>>, vector<1x16xf32>,
        %parallel_loop3A_258 = vector.shape_cast %parallel_loop3A_257 : vector<1x16xf32> to vector<16xf32>
        %parallel_loop3A_259 = arith.subf %parallel_loop3A_246, %parallel_loop3A_258 : vector<16xf32>
        %parallel_loop3A_260 = arith.mulf %parallel_loop3A_259, %parallel_loop3A_259 : vector<16xf32>
        %parallel_loop3A_261 = arith.constant 16 : i32
        %parallel_loop3A_262 = arith.muli %parallel_loop3A_181, %parallel_loop3A_261 : i32
        %parallel_loop3A_263 = arith.constant 1 : i32
        %parallel_loop3A_264 = arith.constant 3 : i32
        %parallel_loop3A_265 = arith.constant 0 : i32
        %parallel_loop3A_266 = arith.constant 0 : i32
        %parallel_loop3A_267 = tpu.memref_slice %arg5[%parallel_loop3A_263, %parallel_loop3A_265, %parallel_loop3A_266] : memref<2x16x1024xf32, #tpu.memory_space<vmem>> -> memref<1x16x1024xf32, #tpu.memory_space<vmem>>
        %parallel_loop3A_268 = tpu.memref_squeeze %parallel_loop3A_267 : memref<1x16x1024xf32, #tpu.memory_space<vmem>> -> memref<16x1024xf32, #tpu.memory_space<vmem>>
        %parallel_loop3A_269 = arith.index_cast %parallel_loop3A_264 : i32 to index
        %parallel_loop3A_270 = arith.index_cast %parallel_loop3A_262 : i32 to index
        %parallel_loop3A_271 = tpu.vector_load %parallel_loop3A_268[%parallel_loop3A_269, %parallel_loop3A_270] {strides = array<i32>} : memref<16x1024xf32, #tpu.memory_space<vmem>>, vector<1x16xf32>,
        %parallel_loop3A_272 = vector.shape_cast %parallel_loop3A_271 : vector<1x16xf32> to vector<16xf32>
        %parallel_loop3A_273 = arith.constant 16 : i32
        %parallel_loop3A_274 = arith.muli %parallel_loop3A_181, %parallel_loop3A_273 : i32
        %parallel_loop3A_275 = arith.constant 1 : i32
        %parallel_loop3A_276 = arith.constant 3 : i32
        %parallel_loop3A_277 = arith.constant 0 : i32
        %parallel_loop3A_278 = arith.constant 0 : i32
        %parallel_loop3A_279 = tpu.memref_slice %arg6[%parallel_loop3A_275, %parallel_loop3A_277, %parallel_loop3A_278] : memref<2x16x1024xf32, #tpu.memory_space<vmem>> -> memref<1x16x1024xf32, #tpu.memory_space<vmem>>
        %parallel_loop3A_280 = tpu.memref_squeeze %parallel_loop3A_279 : memref<1x16x1024xf32, #tpu.memory_space<vmem>> -> memref<16x1024xf32, #tpu.memory_space<vmem>>
        %parallel_loop3A_281 = arith.index_cast %parallel_loop3A_276 : i32 to index
        %parallel_loop3A_282 = arith.index_cast %parallel_loop3A_274 : i32 to index
        %parallel_loop3A_283 = tpu.vector_load %parallel_loop3A_280[%parallel_loop3A_281, %parallel_loop3A_282] {strides = array<i32>} : memref<16x1024xf32, #tpu.memory_space<vmem>>, vector<1x16xf32>,
        %parallel_loop3A_284 = vector.shape_cast %parallel_loop3A_283 : vector<1x16xf32> to vector<16xf32>
        %parallel_loop3A_285 = arith.subf %parallel_loop3A_272, %parallel_loop3A_284 : vector<16xf32>
        %parallel_loop3A_286 = arith.mulf %parallel_loop3A_285, %parallel_loop3A_285 : vector<16xf32>
        %parallel_loop3A_287 = arith.constant 16 : i32
        %parallel_loop3A_288 = arith.muli %parallel_loop3A_181, %parallel_loop3A_287 : i32
        %parallel_loop3A_289 = arith.constant 1 : i32
        %parallel_loop3A_290 = arith.constant 4 : i32
        %parallel_loop3A_291 = arith.constant 0 : i32
        %parallel_loop3A_292 = arith.constant 0 : i32
        %parallel_loop3A_293 = tpu.memref_slice %arg5[%parallel_loop3A_289, %parallel_loop3A_291, %parallel_loop3A_292] : memref<2x16x1024xf32, #tpu.memory_space<vmem>> -> memref<1x16x1024xf32, #tpu.memory_space<vmem>>
        %parallel_loop3A_294 = tpu.memref_squeeze %parallel_loop3A_293 : memref<1x16x1024xf32, #tpu.memory_space<vmem>> -> memref<16x1024xf32, #tpu.memory_space<vmem>>
        %parallel_loop3A_295 = arith.index_cast %parallel_loop3A_290 : i32 to index
        %parallel_loop3A_296 = arith.index_cast %parallel_loop3A_288 : i32 to index
        %parallel_loop3A_297 = tpu.vector_load %parallel_loop3A_294[%parallel_loop3A_295, %parallel_loop3A_296] {strides = array<i32>} : memref<16x1024xf32, #tpu.memory_space<vmem>>, vector<1x16xf32>,
        %parallel_loop3A_298 = vector.shape_cast %parallel_loop3A_297 : vector<1x16xf32> to vector<16xf32>
        %parallel_loop3A_299 = arith.constant 16 : i32
        %parallel_loop3A_300 = arith.muli %parallel_loop3A_181, %parallel_loop3A_299 : i32
        %parallel_loop3A_301 = arith.constant 1 : i32
        %parallel_loop3A_302 = arith.constant 4 : i32
        %parallel_loop3A_303 = arith.constant 0 : i32
        %parallel_loop3A_304 = arith.constant 0 : i32
        %parallel_loop3A_305 = tpu.memref_slice %arg6[%parallel_loop3A_301, %parallel_loop3A_303, %parallel_loop3A_304] : memref<2x16x1024xf32, #tpu.memory_space<vmem>> -> memref<1x16x1024xf32, #tpu.memory_space<vmem>>
        %parallel_loop3A_306 = tpu.memref_squeeze %parallel_loop3A_305 : memref<1x16x1024xf32, #tpu.memory_space<vmem>> -> memref<16x1024xf32, #tpu.memory_space<vmem>>
        %parallel_loop3A_307 = arith.index_cast %parallel_loop3A_302 : i32 to index
        %parallel_loop3A_308 = arith.index_cast %parallel_loop3A_300 : i32 to index
        %parallel_loop3A_309 = tpu.vector_load %parallel_loop3A_306[%parallel_loop3A_307, %parallel_loop3A_308] {strides = array<i32>} : memref<16x1024xf32, #tpu.memory_space<vmem>>, vector<1x16xf32>,
        %parallel_loop3A_310 = vector.shape_cast %parallel_loop3A_309 : vector<1x16xf32> to vector<16xf32>
        %parallel_loop3A_311 = arith.subf %parallel_loop3A_298, %parallel_loop3A_310 : vector<16xf32>
        %parallel_loop3A_312 = arith.mulf %parallel_loop3A_311, %parallel_loop3A_311 : vector<16xf32>
        %parallel_loop3A_313 = arith.constant 16 : i32
        %parallel_loop3A_314 = arith.muli %parallel_loop3A_181, %parallel_loop3A_313 : i32
        %parallel_loop3A_315 = arith.constant 1 : i32
        %parallel_loop3A_316 = arith.constant 5 : i32
        %parallel_loop3A_317 = arith.constant 0 : i32
        %parallel_loop3A_318 = arith.constant 0 : i32
        %parallel_loop3A_319 = tpu.memref_slice %arg5[%parallel_loop3A_315, %parallel_loop3A_317, %parallel_loop3A_318] : memref<2x16x1024xf32, #tpu.memory_space<vmem>> -> memref<1x16x1024xf32, #tpu.memory_space<vmem>>
        %parallel_loop3A_320 = tpu.memref_squeeze %parallel_loop3A_319 : memref<1x16x1024xf32, #tpu.memory_space<vmem>> -> memref<16x1024xf32, #tpu.memory_space<vmem>>
        %parallel_loop3A_321 = arith.index_cast %parallel_loop3A_316 : i32 to index
        %parallel_loop3A_322 = arith.index_cast %parallel_loop3A_314 : i32 to index
        %parallel_loop3A_323 = tpu.vector_load %parallel_loop3A_320[%parallel_loop3A_321, %parallel_loop3A_322] {strides = array<i32>} : memref<16x1024xf32, #tpu.memory_space<vmem>>, vector<1x16xf32>,
        %parallel_loop3A_324 = vector.shape_cast %parallel_loop3A_323 : vector<1x16xf32> to vector<16xf32>
        %parallel_loop3A_325 = arith.constant 16 : i32
        %parallel_loop3A_326 = arith.muli %parallel_loop3A_181, %parallel_loop3A_325 : i32
        %parallel_loop3A_327 = arith.constant 1 : i32
        %parallel_loop3A_328 = arith.constant 5 : i32
        %parallel_loop3A_329 = arith.constant 0 : i32
        %parallel_loop3A_330 = arith.constant 0 : i32
        %parallel_loop3A_331 = tpu.memref_slice %arg6[%parallel_loop3A_327, %parallel_loop3A_329, %parallel_loop3A_330] : memref<2x16x1024xf32, #tpu.memory_space<vmem>> -> memref<1x16x1024xf32, #tpu.memory_space<vmem>>
        %parallel_loop3A_332 = tpu.memref_squeeze %parallel_loop3A_331 : memref<1x16x1024xf32, #tpu.memory_space<vmem>> -> memref<16x1024xf32, #tpu.memory_space<vmem>>
        %parallel_loop3A_333 = arith.index_cast %parallel_loop3A_328 : i32 to index
        %parallel_loop3A_334 = arith.index_cast %parallel_loop3A_326 : i32 to index
        %parallel_loop3A_335 = tpu.vector_load %parallel_loop3A_332[%parallel_loop3A_333, %parallel_loop3A_334] {strides = array<i32>} : memref<16x1024xf32, #tpu.memory_space<vmem>>, vector<1x16xf32>,
        %parallel_loop3A_336 = vector.shape_cast %parallel_loop3A_335 : vector<1x16xf32> to vector<16xf32>
        %parallel_loop3A_337 = arith.subf %parallel_loop3A_324, %parallel_loop3A_336 : vector<16xf32>
        %parallel_loop3A_338 = arith.mulf %parallel_loop3A_337, %parallel_loop3A_337 : vector<16xf32>
        %parallel_loop3A_339 = arith.constant 16 : i32
        %parallel_loop3A_340 = arith.muli %parallel_loop3A_181, %parallel_loop3A_339 : i32
        %parallel_loop3A_341 = arith.constant 1 : i32
        %parallel_loop3A_342 = arith.constant 6 : i32
        %parallel_loop3A_343 = arith.constant 0 : i32
        %parallel_loop3A_344 = arith.constant 0 : i32
        %parallel_loop3A_345 = tpu.memref_slice %arg5[%parallel_loop3A_341, %parallel_loop3A_343, %parallel_loop3A_344] : memref<2x16x1024xf32, #tpu.memory_space<vmem>> -> memref<1x16x1024xf32, #tpu.memory_space<vmem>>
        %parallel_loop3A_346 = tpu.memref_squeeze %parallel_loop3A_345 : memref<1x16x1024xf32, #tpu.memory_space<vmem>> -> memref<16x1024xf32, #tpu.memory_space<vmem>>
        %parallel_loop3A_347 = arith.index_cast %parallel_loop3A_342 : i32 to index
        %parallel_loop3A_348 = arith.index_cast %parallel_loop3A_340 : i32 to index
        %parallel_loop3A_349 = tpu.vector_load %parallel_loop3A_346[%parallel_loop3A_347, %parallel_loop3A_348] {strides = array<i32>} : memref<16x1024xf32, #tpu.memory_space<vmem>>, vector<1x16xf32>,
        %parallel_loop3A_350 = vector.shape_cast %parallel_loop3A_349 : vector<1x16xf32> to vector<16xf32>
        %parallel_loop3A_351 = arith.constant 16 : i32
        %parallel_loop3A_352 = arith.muli %parallel_loop3A_181, %parallel_loop3A_351 : i32
        %parallel_loop3A_353 = arith.constant 1 : i32
        %parallel_loop3A_354 = arith.constant 6 : i32
        %parallel_loop3A_355 = arith.constant 0 : i32
        %parallel_loop3A_356 = arith.constant 0 : i32
        %parallel_loop3A_357 = tpu.memref_slice %arg6[%parallel_loop3A_353, %parallel_loop3A_355, %parallel_loop3A_356] : memref<2x16x1024xf32, #tpu.memory_space<vmem>> -> memref<1x16x1024xf32, #tpu.memory_space<vmem>>
        %parallel_loop3A_358 = tpu.memref_squeeze %parallel_loop3A_357 : memref<1x16x1024xf32, #tpu.memory_space<vmem>> -> memref<16x1024xf32, #tpu.memory_space<vmem>>
        %parallel_loop3A_359 = arith.index_cast %parallel_loop3A_354 : i32 to index
        %parallel_loop3A_360 = arith.index_cast %parallel_loop3A_352 : i32 to index
        %parallel_loop3A_361 = tpu.vector_load %parallel_loop3A_358[%parallel_loop3A_359, %parallel_loop3A_360] {strides = array<i32>} : memref<16x1024xf32, #tpu.memory_space<vmem>>, vector<1x16xf32>,
        %parallel_loop3A_362 = vector.shape_cast %parallel_loop3A_361 : vector<1x16xf32> to vector<16xf32>
        %parallel_loop3A_363 = arith.subf %parallel_loop3A_350, %parallel_loop3A_362 : vector<16xf32>
        %parallel_loop3A_364 = arith.mulf %parallel_loop3A_363, %parallel_loop3A_363 : vector<16xf32>
        %parallel_loop3A_365 = arith.constant 16 : i32
        %parallel_loop3A_366 = arith.muli %parallel_loop3A_181, %parallel_loop3A_365 : i32
        %parallel_loop3A_367 = arith.constant 1 : i32
        %parallel_loop3A_368 = arith.constant 7 : i32
        %parallel_loop3A_369 = arith.constant 0 : i32
        %parallel_loop3A_370 = arith.constant 0 : i32
        %parallel_loop3A_371 = tpu.memref_slice %arg5[%parallel_loop3A_367, %parallel_loop3A_369, %parallel_loop3A_370] : memref<2x16x1024xf32, #tpu.memory_space<vmem>> -> memref<1x16x1024xf32, #tpu.memory_space<vmem>>
        %parallel_loop3A_372 = tpu.memref_squeeze %parallel_loop3A_371 : memref<1x16x1024xf32, #tpu.memory_space<vmem>> -> memref<16x1024xf32, #tpu.memory_space<vmem>>
        %parallel_loop3A_373 = arith.index_cast %parallel_loop3A_368 : i32 to index
        %parallel_loop3A_374 = arith.index_cast %parallel_loop3A_366 : i32 to index
        %parallel_loop3A_375 = tpu.vector_load %parallel_loop3A_372[%parallel_loop3A_373, %parallel_loop3A_374] {strides = array<i32>} : memref<16x1024xf32, #tpu.memory_space<vmem>>, vector<1x16xf32>,
        %parallel_loop3A_376 = vector.shape_cast %parallel_loop3A_375 : vector<1x16xf32> to vector<16xf32>
        %parallel_loop3A_377 = arith.constant 16 : i32
        %parallel_loop3A_378 = arith.muli %parallel_loop3A_181, %parallel_loop3A_377 : i32
        %parallel_loop3A_379 = arith.constant 1 : i32
        %parallel_loop3A_380 = arith.constant 7 : i32
        %parallel_loop3A_381 = arith.constant 0 : i32
        %parallel_loop3A_382 = arith.constant 0 : i32
        %parallel_loop3A_383 = tpu.memref_slice %arg6[%parallel_loop3A_379, %parallel_loop3A_381, %parallel_loop3A_382] : memref<2x16x1024xf32, #tpu.memory_space<vmem>> -> memref<1x16x1024xf32, #tpu.memory_space<vmem>>
        %parallel_loop3A_384 = tpu.memref_squeeze %parallel_loop3A_383 : memref<1x16x1024xf32, #tpu.memory_space<vmem>> -> memref<16x1024xf32, #tpu.memory_space<vmem>>
        %parallel_loop3A_385 = arith.index_cast %parallel_loop3A_380 : i32 to index
        %parallel_loop3A_386 = arith.index_cast %parallel_loop3A_378 : i32 to index
        %parallel_loop3A_387 = tpu.vector_load %parallel_loop3A_384[%parallel_loop3A_385, %parallel_loop3A_386] {strides = array<i32>} : memref<16x1024xf32, #tpu.memory_space<vmem>>, vector<1x16xf32>,
        %parallel_loop3A_388 = vector.shape_cast %parallel_loop3A_387 : vector<1x16xf32> to vector<16xf32>
        %parallel_loop3A_389 = arith.subf %parallel_loop3A_376, %parallel_loop3A_388 : vector<16xf32>
        %parallel_loop3A_390 = arith.mulf %parallel_loop3A_389, %parallel_loop3A_389 : vector<16xf32>
        %parallel_loop3A_391 = arith.constant 16 : i32
        %parallel_loop3A_392 = arith.muli %parallel_loop3A_181, %parallel_loop3A_391 : i32
        %parallel_loop3A_393 = arith.constant 1 : i32
        %parallel_loop3A_394 = arith.constant 8 : i32
        %parallel_loop3A_395 = arith.constant 0 : i32
        %parallel_loop3A_396 = arith.constant 0 : i32
        %parallel_loop3A_397 = tpu.memref_slice %arg5[%parallel_loop3A_393, %parallel_loop3A_395, %parallel_loop3A_396] : memref<2x16x1024xf32, #tpu.memory_space<vmem>> -> memref<1x16x1024xf32, #tpu.memory_space<vmem>>
        %parallel_loop3A_398 = tpu.memref_squeeze %parallel_loop3A_397 : memref<1x16x1024xf32, #tpu.memory_space<vmem>> -> memref<16x1024xf32, #tpu.memory_space<vmem>>
        %parallel_loop3A_399 = arith.index_cast %parallel_loop3A_394 : i32 to index
        %parallel_loop3A_400 = arith.index_cast %parallel_loop3A_392 : i32 to index
        %parallel_loop3A_401 = tpu.vector_load %parallel_loop3A_398[%parallel_loop3A_399, %parallel_loop3A_400] {strides = array<i32>} : memref<16x1024xf32, #tpu.memory_space<vmem>>, vector<1x16xf32>,
        %parallel_loop3A_402 = vector.shape_cast %parallel_loop3A_401 : vector<1x16xf32> to vector<16xf32>
        %parallel_loop3A_403 = arith.constant 16 : i32
        %parallel_loop3A_404 = arith.muli %parallel_loop3A_181, %parallel_loop3A_403 : i32
        %parallel_loop3A_405 = arith.constant 1 : i32
        %parallel_loop3A_406 = arith.constant 8 : i32
        %parallel_loop3A_407 = arith.constant 0 : i32
        %parallel_loop3A_408 = arith.constant 0 : i32
        %parallel_loop3A_409 = tpu.memref_slice %arg6[%parallel_loop3A_405, %parallel_loop3A_407, %parallel_loop3A_408] : memref<2x16x1024xf32, #tpu.memory_space<vmem>> -> memref<1x16x1024xf32, #tpu.memory_space<vmem>>
        %parallel_loop3A_410 = tpu.memref_squeeze %parallel_loop3A_409 : memref<1x16x1024xf32, #tpu.memory_space<vmem>> -> memref<16x1024xf32, #tpu.memory_space<vmem>>
        %parallel_loop3A_411 = arith.index_cast %parallel_loop3A_406 : i32 to index
        %parallel_loop3A_412 = arith.index_cast %parallel_loop3A_404 : i32 to index
        %parallel_loop3A_413 = tpu.vector_load %parallel_loop3A_410[%parallel_loop3A_411, %parallel_loop3A_412] {strides = array<i32>} : memref<16x1024xf32, #tpu.memory_space<vmem>>, vector<1x16xf32>,
        %parallel_loop3A_414 = vector.shape_cast %parallel_loop3A_413 : vector<1x16xf32> to vector<16xf32>
        %parallel_loop3A_415 = arith.subf %parallel_loop3A_402, %parallel_loop3A_414 : vector<16xf32>
        %parallel_loop3A_416 = arith.mulf %parallel_loop3A_415, %parallel_loop3A_415 : vector<16xf32>
        %parallel_loop3A_417 = arith.constant 16 : i32
        %parallel_loop3A_418 = arith.muli %parallel_loop3A_181, %parallel_loop3A_417 : i32
        %parallel_loop3A_419 = arith.constant 1 : i32
        %parallel_loop3A_420 = arith.constant 9 : i32
        %parallel_loop3A_421 = arith.constant 0 : i32
        %parallel_loop3A_422 = arith.constant 0 : i32
        %parallel_loop3A_423 = tpu.memref_slice %arg5[%parallel_loop3A_419, %parallel_loop3A_421, %parallel_loop3A_422] : memref<2x16x1024xf32, #tpu.memory_space<vmem>> -> memref<1x16x1024xf32, #tpu.memory_space<vmem>>
        %parallel_loop3A_424 = tpu.memref_squeeze %parallel_loop3A_423 : memref<1x16x1024xf32, #tpu.memory_space<vmem>> -> memref<16x1024xf32, #tpu.memory_space<vmem>>
        %parallel_loop3A_425 = arith.index_cast %parallel_loop3A_420 : i32 to index
        %parallel_loop3A_426 = arith.index_cast %parallel_loop3A_418 : i32 to index
        %parallel_loop3A_427 = tpu.vector_load %parallel_loop3A_424[%parallel_loop3A_425, %parallel_loop3A_426] {strides = array<i32>} : memref<16x1024xf32, #tpu.memory_space<vmem>>, vector<1x16xf32>,
        %parallel_loop3A_428 = vector.shape_cast %parallel_loop3A_427 : vector<1x16xf32> to vector<16xf32>
        %parallel_loop3A_429 = arith.constant 16 : i32
        %parallel_loop3A_430 = arith.muli %parallel_loop3A_181, %parallel_loop3A_429 : i32
        %parallel_loop3A_431 = arith.constant 1 : i32
        %parallel_loop3A_432 = arith.constant 9 : i32
        %parallel_loop3A_433 = arith.constant 0 : i32
        %parallel_loop3A_434 = arith.constant 0 : i32
        %parallel_loop3A_435 = tpu.memref_slice %arg6[%parallel_loop3A_431, %parallel_loop3A_433, %parallel_loop3A_434] : memref<2x16x1024xf32, #tpu.memory_space<vmem>> -> memref<1x16x1024xf32, #tpu.memory_space<vmem>>
        %parallel_loop3A_436 = tpu.memref_squeeze %parallel_loop3A_435 : memref<1x16x1024xf32, #tpu.memory_space<vmem>> -> memref<16x1024xf32, #tpu.memory_space<vmem>>
        %parallel_loop3A_437 = arith.index_cast %parallel_loop3A_432 : i32 to index
        %parallel_loop3A_438 = arith.index_cast %parallel_loop3A_430 : i32 to index
        %parallel_loop3A_439 = tpu.vector_load %parallel_loop3A_436[%parallel_loop3A_437, %parallel_loop3A_438] {strides = array<i32>} : memref<16x1024xf32, #tpu.memory_space<vmem>>, vector<1x16xf32>,
        %parallel_loop3A_440 = vector.shape_cast %parallel_loop3A_439 : vector<1x16xf32> to vector<16xf32>
        %parallel_loop3A_441 = arith.subf %parallel_loop3A_428, %parallel_loop3A_440 : vector<16xf32>
        %parallel_loop3A_442 = arith.mulf %parallel_loop3A_441, %parallel_loop3A_441 : vector<16xf32>
        %parallel_loop3A_443 = arith.constant 16 : i32
        %parallel_loop3A_444 = arith.muli %parallel_loop3A_181, %parallel_loop3A_443 : i32
        %parallel_loop3A_445 = arith.constant 1 : i32
        %parallel_loop3A_446 = arith.constant 10 : i32
        %parallel_loop3A_447 = arith.constant 0 : i32
        %parallel_loop3A_448 = arith.constant 0 : i32
        %parallel_loop3A_449 = tpu.memref_slice %arg5[%parallel_loop3A_445, %parallel_loop3A_447, %parallel_loop3A_448] : memref<2x16x1024xf32, #tpu.memory_space<vmem>> -> memref<1x16x1024xf32, #tpu.memory_space<vmem>>
        %parallel_loop3A_450 = tpu.memref_squeeze %parallel_loop3A_449 : memref<1x16x1024xf32, #tpu.memory_space<vmem>> -> memref<16x1024xf32, #tpu.memory_space<vmem>>
        %parallel_loop3A_451 = arith.index_cast %parallel_loop3A_446 : i32 to index
        %parallel_loop3A_452 = arith.index_cast %parallel_loop3A_444 : i32 to index
        %parallel_loop3A_453 = tpu.vector_load %parallel_loop3A_450[%parallel_loop3A_451, %parallel_loop3A_452] {strides = array<i32>} : memref<16x1024xf32, #tpu.memory_space<vmem>>, vector<1x16xf32>,
        %parallel_loop3A_454 = vector.shape_cast %parallel_loop3A_453 : vector<1x16xf32> to vector<16xf32>
        %parallel_loop3A_455 = arith.constant 16 : i32
        %parallel_loop3A_456 = arith.muli %parallel_loop3A_181, %parallel_loop3A_455 : i32
        %parallel_loop3A_457 = arith.constant 1 : i32
        %parallel_loop3A_458 = arith.constant 10 : i32
        %parallel_loop3A_459 = arith.constant 0 : i32
        %parallel_loop3A_460 = arith.constant 0 : i32
        %parallel_loop3A_461 = tpu.memref_slice %arg6[%parallel_loop3A_457, %parallel_loop3A_459, %parallel_loop3A_460] : memref<2x16x1024xf32, #tpu.memory_space<vmem>> -> memref<1x16x1024xf32, #tpu.memory_space<vmem>>
        %parallel_loop3A_462 = tpu.memref_squeeze %parallel_loop3A_461 : memref<1x16x1024xf32, #tpu.memory_space<vmem>> -> memref<16x1024xf32, #tpu.memory_space<vmem>>
        %parallel_loop3A_463 = arith.index_cast %parallel_loop3A_458 : i32 to index
        %parallel_loop3A_464 = arith.index_cast %parallel_loop3A_456 : i32 to index
        %parallel_loop3A_465 = tpu.vector_load %parallel_loop3A_462[%parallel_loop3A_463, %parallel_loop3A_464] {strides = array<i32>} : memref<16x1024xf32, #tpu.memory_space<vmem>>, vector<1x16xf32>,
        %parallel_loop3A_466 = vector.shape_cast %parallel_loop3A_465 : vector<1x16xf32> to vector<16xf32>
        %parallel_loop3A_467 = arith.subf %parallel_loop3A_454, %parallel_loop3A_466 : vector<16xf32>
        %parallel_loop3A_468 = arith.mulf %parallel_loop3A_467, %parallel_loop3A_467 : vector<16xf32>
        %parallel_loop3A_469 = arith.constant 16 : i32
        %parallel_loop3A_470 = arith.muli %parallel_loop3A_181, %parallel_loop3A_469 : i32
        %parallel_loop3A_471 = arith.constant 1 : i32
        %parallel_loop3A_472 = arith.constant 11 : i32
        %parallel_loop3A_473 = arith.constant 0 : i32
        %parallel_loop3A_474 = arith.constant 0 : i32
        %parallel_loop3A_475 = tpu.memref_slice %arg5[%parallel_loop3A_471, %parallel_loop3A_473, %parallel_loop3A_474] : memref<2x16x1024xf32, #tpu.memory_space<vmem>> -> memref<1x16x1024xf32, #tpu.memory_space<vmem>>
        %parallel_loop3A_476 = tpu.memref_squeeze %parallel_loop3A_475 : memref<1x16x1024xf32, #tpu.memory_space<vmem>> -> memref<16x1024xf32, #tpu.memory_space<vmem>>
        %parallel_loop3A_477 = arith.index_cast %parallel_loop3A_472 : i32 to index
        %parallel_loop3A_478 = arith.index_cast %parallel_loop3A_470 : i32 to index
        %parallel_loop3A_479 = tpu.vector_load %parallel_loop3A_476[%parallel_loop3A_477, %parallel_loop3A_478] {strides = array<i32>} : memref<16x1024xf32, #tpu.memory_space<vmem>>, vector<1x16xf32>,
        %parallel_loop3A_480 = vector.shape_cast %parallel_loop3A_479 : vector<1x16xf32> to vector<16xf32>
        %parallel_loop3A_481 = arith.constant 16 : i32
        %parallel_loop3A_482 = arith.muli %parallel_loop3A_181, %parallel_loop3A_481 : i32
        %parallel_loop3A_483 = arith.constant 1 : i32
        %parallel_loop3A_484 = arith.constant 11 : i32
        %parallel_loop3A_485 = arith.constant 0 : i32
        %parallel_loop3A_486 = arith.constant 0 : i32
        %parallel_loop3A_487 = tpu.memref_slice %arg6[%parallel_loop3A_483, %parallel_loop3A_485, %parallel_loop3A_486] : memref<2x16x1024xf32, #tpu.memory_space<vmem>> -> memref<1x16x1024xf32, #tpu.memory_space<vmem>>
        %parallel_loop3A_488 = tpu.memref_squeeze %parallel_loop3A_487 : memref<1x16x1024xf32, #tpu.memory_space<vmem>> -> memref<16x1024xf32, #tpu.memory_space<vmem>>
        %parallel_loop3A_489 = arith.index_cast %parallel_loop3A_484 : i32 to index
        %parallel_loop3A_490 = arith.index_cast %parallel_loop3A_482 : i32 to index
        %parallel_loop3A_491 = tpu.vector_load %parallel_loop3A_488[%parallel_loop3A_489, %parallel_loop3A_490] {strides = array<i32>} : memref<16x1024xf32, #tpu.memory_space<vmem>>, vector<1x16xf32>,
        %parallel_loop3A_492 = vector.shape_cast %parallel_loop3A_491 : vector<1x16xf32> to vector<16xf32>
        %parallel_loop3A_493 = arith.subf %parallel_loop3A_480, %parallel_loop3A_492 : vector<16xf32>
        %parallel_loop3A_494 = arith.mulf %parallel_loop3A_493, %parallel_loop3A_493 : vector<16xf32>
        %parallel_loop3A_495 = arith.constant 16 : i32
        %parallel_loop3A_496 = arith.muli %parallel_loop3A_181, %parallel_loop3A_495 : i32
        %parallel_loop3A_497 = arith.constant 1 : i32
        %parallel_loop3A_498 = arith.constant 12 : i32
        %parallel_loop3A_499 = arith.constant 0 : i32
        %parallel_loop3A_500 = arith.constant 0 : i32
        %parallel_loop3A_501 = tpu.memref_slice %arg5[%parallel_loop3A_497, %parallel_loop3A_499, %parallel_loop3A_500] : memref<2x16x1024xf32, #tpu.memory_space<vmem>> -> memref<1x16x1024xf32, #tpu.memory_space<vmem>>
        %parallel_loop3A_502 = tpu.memref_squeeze %parallel_loop3A_501 : memref<1x16x1024xf32, #tpu.memory_space<vmem>> -> memref<16x1024xf32, #tpu.memory_space<vmem>>
        %parallel_loop3A_503 = arith.index_cast %parallel_loop3A_498 : i32 to index
        %parallel_loop3A_504 = arith.index_cast %parallel_loop3A_496 : i32 to index
        %parallel_loop3A_505 = tpu.vector_load %parallel_loop3A_502[%parallel_loop3A_503, %parallel_loop3A_504] {strides = array<i32>} : memref<16x1024xf32, #tpu.memory_space<vmem>>, vector<1x16xf32>,
        %parallel_loop3A_506 = vector.shape_cast %parallel_loop3A_505 : vector<1x16xf32> to vector<16xf32>
        %parallel_loop3A_507 = arith.constant 16 : i32
        %parallel_loop3A_508 = arith.muli %parallel_loop3A_181, %parallel_loop3A_507 : i32
        %parallel_loop3A_509 = arith.constant 1 : i32
        %parallel_loop3A_510 = arith.constant 12 : i32
        %parallel_loop3A_511 = arith.constant 0 : i32
        %parallel_loop3A_512 = arith.constant 0 : i32
        %parallel_loop3A_513 = tpu.memref_slice %arg6[%parallel_loop3A_509, %parallel_loop3A_511, %parallel_loop3A_512] : memref<2x16x1024xf32, #tpu.memory_space<vmem>> -> memref<1x16x1024xf32, #tpu.memory_space<vmem>>
        %parallel_loop3A_514 = tpu.memref_squeeze %parallel_loop3A_513 : memref<1x16x1024xf32, #tpu.memory_space<vmem>> -> memref<16x1024xf32, #tpu.memory_space<vmem>>
        %parallel_loop3A_515 = arith.index_cast %parallel_loop3A_510 : i32 to index
        %parallel_loop3A_516 = arith.index_cast %parallel_loop3A_508 : i32 to index
        %parallel_loop3A_517 = tpu.vector_load %parallel_loop3A_514[%parallel_loop3A_515, %parallel_loop3A_516] {strides = array<i32>} : memref<16x1024xf32, #tpu.memory_space<vmem>>, vector<1x16xf32>,
        %parallel_loop3A_518 = vector.shape_cast %parallel_loop3A_517 : vector<1x16xf32> to vector<16xf32>
        %parallel_loop3A_519 = arith.subf %parallel_loop3A_506, %parallel_loop3A_518 : vector<16xf32>
        %parallel_loop3A_520 = arith.mulf %parallel_loop3A_519, %parallel_loop3A_519 : vector<16xf32>
        %parallel_loop3A_521 = arith.constant 16 : i32
        %parallel_loop3A_522 = arith.muli %parallel_loop3A_181, %parallel_loop3A_521 : i32
        %parallel_loop3A_523 = arith.constant 1 : i32
        %parallel_loop3A_524 = arith.constant 13 : i32
        %parallel_loop3A_525 = arith.constant 0 : i32
        %parallel_loop3A_526 = arith.constant 0 : i32
        %parallel_loop3A_527 = tpu.memref_slice %arg5[%parallel_loop3A_523, %parallel_loop3A_525, %parallel_loop3A_526] : memref<2x16x1024xf32, #tpu.memory_space<vmem>> -> memref<1x16x1024xf32, #tpu.memory_space<vmem>>
        %parallel_loop3A_528 = tpu.memref_squeeze %parallel_loop3A_527 : memref<1x16x1024xf32, #tpu.memory_space<vmem>> -> memref<16x1024xf32, #tpu.memory_space<vmem>>
        %parallel_loop3A_529 = arith.index_cast %parallel_loop3A_524 : i32 to index
        %parallel_loop3A_530 = arith.index_cast %parallel_loop3A_522 : i32 to index
        %parallel_loop3A_531 = tpu.vector_load %parallel_loop3A_528[%parallel_loop3A_529, %parallel_loop3A_530] {strides = array<i32>} : memref<16x1024xf32, #tpu.memory_space<vmem>>, vector<1x16xf32>,
        %parallel_loop3A_532 = vector.shape_cast %parallel_loop3A_531 : vector<1x16xf32> to vector<16xf32>
        %parallel_loop3A_533 = arith.constant 16 : i32
        %parallel_loop3A_534 = arith.muli %parallel_loop3A_181, %parallel_loop3A_533 : i32
        %parallel_loop3A_535 = arith.constant 1 : i32
        %parallel_loop3A_536 = arith.constant 13 : i32
        %parallel_loop3A_537 = arith.constant 0 : i32
        %parallel_loop3A_538 = arith.constant 0 : i32
        %parallel_loop3A_539 = tpu.memref_slice %arg6[%parallel_loop3A_535, %parallel_loop3A_537, %parallel_loop3A_538] : memref<2x16x1024xf32, #tpu.memory_space<vmem>> -> memref<1x16x1024xf32, #tpu.memory_space<vmem>>
        %parallel_loop3A_540 = tpu.memref_squeeze %parallel_loop3A_539 : memref<1x16x1024xf32, #tpu.memory_space<vmem>> -> memref<16x1024xf32, #tpu.memory_space<vmem>>
        %parallel_loop3A_541 = arith.index_cast %parallel_loop3A_536 : i32 to index
        %parallel_loop3A_542 = arith.index_cast %parallel_loop3A_534 : i32 to index
        %parallel_loop3A_543 = tpu.vector_load %parallel_loop3A_540[%parallel_loop3A_541, %parallel_loop3A_542] {strides = array<i32>} : memref<16x1024xf32, #tpu.memory_space<vmem>>, vector<1x16xf32>,
        %parallel_loop3A_544 = vector.shape_cast %parallel_loop3A_543 : vector<1x16xf32> to vector<16xf32>
        %parallel_loop3A_545 = arith.subf %parallel_loop3A_532, %parallel_loop3A_544 : vector<16xf32>
        %parallel_loop3A_546 = arith.mulf %parallel_loop3A_545, %parallel_loop3A_545 : vector<16xf32>
        %parallel_loop3A_547 = arith.constant 16 : i32
        %parallel_loop3A_548 = arith.muli %parallel_loop3A_181, %parallel_loop3A_547 : i32
        %parallel_loop3A_549 = arith.constant 1 : i32
        %parallel_loop3A_550 = arith.constant 14 : i32
        %parallel_loop3A_551 = arith.constant 0 : i32
        %parallel_loop3A_552 = arith.constant 0 : i32
        %parallel_loop3A_553 = tpu.memref_slice %arg5[%parallel_loop3A_549, %parallel_loop3A_551, %parallel_loop3A_552] : memref<2x16x1024xf32, #tpu.memory_space<vmem>> -> memref<1x16x1024xf32, #tpu.memory_space<vmem>>
        %parallel_loop3A_554 = tpu.memref_squeeze %parallel_loop3A_553 : memref<1x16x1024xf32, #tpu.memory_space<vmem>> -> memref<16x1024xf32, #tpu.memory_space<vmem>>
        %parallel_loop3A_555 = arith.index_cast %parallel_loop3A_550 : i32 to index
        %parallel_loop3A_556 = arith.index_cast %parallel_loop3A_548 : i32 to index
        %parallel_loop3A_557 = tpu.vector_load %parallel_loop3A_554[%parallel_loop3A_555, %parallel_loop3A_556] {strides = array<i32>} : memref<16x1024xf32, #tpu.memory_space<vmem>>, vector<1x16xf32>,
        %parallel_loop3A_558 = vector.shape_cast %parallel_loop3A_557 : vector<1x16xf32> to vector<16xf32>
        %parallel_loop3A_559 = arith.constant 16 : i32
        %parallel_loop3A_560 = arith.muli %parallel_loop3A_181, %parallel_loop3A_559 : i32
        %parallel_loop3A_561 = arith.constant 1 : i32
        %parallel_loop3A_562 = arith.constant 14 : i32
        %parallel_loop3A_563 = arith.constant 0 : i32
        %parallel_loop3A_564 = arith.constant 0 : i32
        %parallel_loop3A_565 = tpu.memref_slice %arg6[%parallel_loop3A_561, %parallel_loop3A_563, %parallel_loop3A_564] : memref<2x16x1024xf32, #tpu.memory_space<vmem>> -> memref<1x16x1024xf32, #tpu.memory_space<vmem>>
        %parallel_loop3A_566 = tpu.memref_squeeze %parallel_loop3A_565 : memref<1x16x1024xf32, #tpu.memory_space<vmem>> -> memref<16x1024xf32, #tpu.memory_space<vmem>>
        %parallel_loop3A_567 = arith.index_cast %parallel_loop3A_562 : i32 to index
        %parallel_loop3A_568 = arith.index_cast %parallel_loop3A_560 : i32 to index
        %parallel_loop3A_569 = tpu.vector_load %parallel_loop3A_566[%parallel_loop3A_567, %parallel_loop3A_568] {strides = array<i32>} : memref<16x1024xf32, #tpu.memory_space<vmem>>, vector<1x16xf32>,
        %parallel_loop3A_570 = vector.shape_cast %parallel_loop3A_569 : vector<1x16xf32> to vector<16xf32>
        %parallel_loop3A_571 = arith.subf %parallel_loop3A_558, %parallel_loop3A_570 : vector<16xf32>
        %parallel_loop3A_572 = arith.mulf %parallel_loop3A_571, %parallel_loop3A_571 : vector<16xf32>
        %parallel_loop3A_573 = arith.constant 16 : i32
        %parallel_loop3A_574 = arith.muli %parallel_loop3A_181, %parallel_loop3A_573 : i32
        %parallel_loop3A_575 = arith.constant 1 : i32
        %parallel_loop3A_576 = arith.constant 15 : i32
        %parallel_loop3A_577 = arith.constant 0 : i32
        %parallel_loop3A_578 = arith.constant 0 : i32
        %parallel_loop3A_579 = tpu.memref_slice %arg5[%parallel_loop3A_575, %parallel_loop3A_577, %parallel_loop3A_578] : memref<2x16x1024xf32, #tpu.memory_space<vmem>> -> memref<1x16x1024xf32, #tpu.memory_space<vmem>>
        %parallel_loop3A_580 = tpu.memref_squeeze %parallel_loop3A_579 : memref<1x16x1024xf32, #tpu.memory_space<vmem>> -> memref<16x1024xf32, #tpu.memory_space<vmem>>
        %parallel_loop3A_581 = arith.index_cast %parallel_loop3A_576 : i32 to index
        %parallel_loop3A_582 = arith.index_cast %parallel_loop3A_574 : i32 to index
        %parallel_loop3A_583 = tpu.vector_load %parallel_loop3A_580[%parallel_loop3A_581, %parallel_loop3A_582] {strides = array<i32>} : memref<16x1024xf32, #tpu.memory_space<vmem>>, vector<1x16xf32>,
        %parallel_loop3A_584 = vector.shape_cast %parallel_loop3A_583 : vector<1x16xf32> to vector<16xf32>
        %parallel_loop3A_585 = arith.constant 16 : i32
        %parallel_loop3A_586 = arith.muli %parallel_loop3A_181, %parallel_loop3A_585 : i32
        %parallel_loop3A_587 = arith.constant 1 : i32
        %parallel_loop3A_588 = arith.constant 15 : i32
        %parallel_loop3A_589 = arith.constant 0 : i32
        %parallel_loop3A_590 = arith.constant 0 : i32
        %parallel_loop3A_591 = tpu.memref_slice %arg6[%parallel_loop3A_587, %parallel_loop3A_589, %parallel_loop3A_590] : memref<2x16x1024xf32, #tpu.memory_space<vmem>> -> memref<1x16x1024xf32, #tpu.memory_space<vmem>>
        %parallel_loop3A_592 = tpu.memref_squeeze %parallel_loop3A_591 : memref<1x16x1024xf32, #tpu.memory_space<vmem>> -> memref<16x1024xf32, #tpu.memory_space<vmem>>
        %parallel_loop3A_593 = arith.index_cast %parallel_loop3A_588 : i32 to index
        %parallel_loop3A_594 = arith.index_cast %parallel_loop3A_586 : i32 to index
        %parallel_loop3A_595 = tpu.vector_load %parallel_loop3A_592[%parallel_loop3A_593, %parallel_loop3A_594] {strides = array<i32>} : memref<16x1024xf32, #tpu.memory_space<vmem>>, vector<1x16xf32>,
        %parallel_loop3A_596 = vector.shape_cast %parallel_loop3A_595 : vector<1x16xf32> to vector<16xf32>
        %parallel_loop3A_597 = arith.subf %parallel_loop3A_584, %parallel_loop3A_596 : vector<16xf32>
        %parallel_loop3A_598 = arith.mulf %parallel_loop3A_597, %parallel_loop3A_597 : vector<16xf32>
        %parallel_loop3A_599 = arith.addf %parallel_loop3A_208, %parallel_loop3A_234 : vector<16xf32>
        %parallel_loop3A_600 = arith.addf %parallel_loop3A_260, %parallel_loop3A_286 : vector<16xf32>
        %parallel_loop3A_601 = arith.addf %parallel_loop3A_312, %parallel_loop3A_338 : vector<16xf32>
        %parallel_loop3A_602 = arith.addf %parallel_loop3A_364, %parallel_loop3A_390 : vector<16xf32>
        %parallel_loop3A_603 = arith.addf %parallel_loop3A_416, %parallel_loop3A_442 : vector<16xf32>
        %parallel_loop3A_604 = arith.addf %parallel_loop3A_468, %parallel_loop3A_494 : vector<16xf32>
        %parallel_loop3A_605 = arith.addf %parallel_loop3A_520, %parallel_loop3A_546 : vector<16xf32>
        %parallel_loop3A_606 = arith.addf %parallel_loop3A_572, %parallel_loop3A_598 : vector<16xf32>
        %parallel_loop3A_607 = arith.addf %parallel_loop3A_599, %parallel_loop3A_600 : vector<16xf32>
        %parallel_loop3A_608 = arith.addf %parallel_loop3A_601, %parallel_loop3A_602 : vector<16xf32>
        %parallel_loop3A_609 = arith.addf %parallel_loop3A_603, %parallel_loop3A_604 : vector<16xf32>
        %parallel_loop3A_610 = arith.addf %parallel_loop3A_605, %parallel_loop3A_606 : vector<16xf32>
        %parallel_loop3A_611 = arith.addf %parallel_loop3A_607, %parallel_loop3A_608 : vector<16xf32>
        %parallel_loop3A_612 = arith.addf %parallel_loop3A_609, %parallel_loop3A_610 : vector<16xf32>
        %parallel_loop3A_613 = arith.addf %parallel_loop3A_611, %parallel_loop3A_612 : vector<16xf32>
        %parallel_loop3A_614 = arith.addf %parallel_loop3A_182, %parallel_loop3A_613 : vector<16xf32>
        scf.yield %parallel_loop3A_614 : vector<16xf32>
      } {sc.loop_unroll_factor = 2 : i64, sc.parallel_access}
      %get3A_166 = arith.constant 0 : index
      %get3A_167 = tpu.vector_load %arg7[%get3A_166] {strides = array<i32>} : memref<16xf32, #tpu.memory_space<vmem>>, vector<16xf32>,
      %get3A_168 = vector.shape_cast %get3A_167 : vector<16xf32> to vector<16xf32>
      %add3A_169 = arith.addf %get3A_168, %parallel_loop3A_165 : vector<16xf32>
      %swap3A_170 = arith.constant 0 : index
      %swap3A_171 = tpu.vector_load %arg7[%swap3A_170] {strides = array<i32>} : memref<16xf32, #tpu.memory_space<vmem>>, vector<16xf32>,
      %swap3A_172 = vector.shape_cast %swap3A_171 : vector<16xf32> to vector<16xf32>
      %swap3A_173 = vector.shape_cast %add3A_169 : vector<16xf32> to vector<16xf32>
      tpu.vector_store %arg7[%swap3A_170], %swap3A_173 {strides = array<i32>} : memref<16xf32, #tpu.memory_space<vmem>>, vector<16xf32>,
      %add3A_174 = arith.constant 2 : i32
      %add3A_175 = arith.addi %add3A_127, %add3A_174 : i32
      %lt3A_176 = arith.constant 64 : i32
      %lt3A_177 = arith.cmpi slt, %add3A_175, %lt3A_176 : i32
      %convert_element_type3A_178 = arith.extui %lt3A_177 : i1 to i32
      %cond3A_179 = arith.constant 0 : i32
      %cond3A_180 = arith.cmpi ne, %convert_element_type3A_178, %cond3A_179 : i32
      scf.if %cond3A_180 {
        %mul3A_181 = arith.constant 16 : i32
        %mul3A_182 = arith.muli %add3A_175, %mul3A_181 : i32
        %add3A_183 = arith.addi %add3A_4, %mul3A_182 : i32
        %dma_start3A_184 = arith.constant 1 : i32
        %dma_start3A_185 = arith.constant 0 : i32
        %dma_start3A_186 = arith.constant 0 : i32
        %dma_start3A_187 = tpu.memref_slice %arg5[%dma_start3A_184, %dma_start3A_185, %dma_start3A_186] : memref<2x16x1024xf32, #tpu.memory_space<vmem>> -> memref<1x16x1024xf32, #tpu.memory_space<vmem>>
        %dma_start3A_188 = tpu.memref_squeeze %dma_start3A_187 : memref<1x16x1024xf32, #tpu.memory_space<vmem>> -> memref<16x1024xf32, #tpu.memory_space<vmem>>
        %dma_start3A_189 = arith.constant 0 : i32
        %dma_start3A_190 = tpu.memref_slice %arg2[%add3A_183, %dma_start3A_189] : memref<65536x1024xf32, #tpu.memory_space<hbm>> -> memref<16x1024xf32, #tpu.memory_space<hbm>>
        %dma_start3A_191 = arith.constant 0 : i32
        %dma_start3A_192 = arith.constant 0 : i32
        %dma_start3A_193 = tpu.memref_slice %arg5[%dma_start3A_184, %dma_start3A_191, %dma_start3A_192] : memref<2x16x1024xf32, #tpu.memory_space<vmem>> -> memref<1x16x1024xf32, #tpu.memory_space<vmem>>
        %dma_start3A_194 = tpu.memref_squeeze %dma_start3A_193 : memref<1x16x1024xf32, #tpu.memory_space<vmem>> -> memref<16x1024xf32, #tpu.memory_space<vmem>>
        %dma_start3A_195 = arith.constant 0 : i32
        %dma_start3A_196 = tpu.memref_slice %arg2[%add3A_183, %dma_start3A_195] : memref<65536x1024xf32, #tpu.memory_space<hbm>> -> memref<16x1024xf32, #tpu.memory_space<hbm>>
        tpu.enqueue_dma source(%dma_start3A_196 : memref<16x1024xf32, #tpu.memory_space<hbm>>) target(%dma_start3A_194 : memref<16x1024xf32, #tpu.memory_space<vmem>>) target_semaphore(%arg9 : memref<!tpu.dma_semaphore, #tpu.memory_space<semaphore_mem>>)
        %mul3A_197 = arith.constant 16 : i32
        %mul3A_198 = arith.muli %add3A_175, %mul3A_197 : i32
        %add3A_199 = arith.addi %add3A_4, %mul3A_198 : i32
        %dma_start3A_200 = arith.constant 1 : i32
        %dma_start3A_201 = arith.constant 0 : i32
        %dma_start3A_202 = arith.constant 0 : i32
        %dma_start3A_203 = tpu.memref_slice %arg6[%dma_start3A_200, %dma_start3A_201, %dma_start3A_202] : memref<2x16x1024xf32, #tpu.memory_space<vmem>> -> memref<1x16x1024xf32, #tpu.memory_space<vmem>>
        %dma_start3A_204 = tpu.memref_squeeze %dma_start3A_203 : memref<1x16x1024xf32, #tpu.memory_space<vmem>> -> memref<16x1024xf32, #tpu.memory_space<vmem>>
        %dma_start3A_205 = arith.constant 0 : i32
        %dma_start3A_206 = tpu.memref_slice %arg3[%add3A_199, %dma_start3A_205] : memref<65536x1024xf32, #tpu.memory_space<hbm>> -> memref<16x1024xf32, #tpu.memory_space<hbm>>
        %dma_start3A_207 = arith.constant 0 : i32
        %dma_start3A_208 = arith.constant 0 : i32
        %dma_start3A_209 = tpu.memref_slice %arg6[%dma_start3A_200, %dma_start3A_207, %dma_start3A_208] : memref<2x16x1024xf32, #tpu.memory_space<vmem>> -> memref<1x16x1024xf32, #tpu.memory_space<vmem>>
        %dma_start3A_210 = tpu.memref_squeeze %dma_start3A_209 : memref<1x16x1024xf32, #tpu.memory_space<vmem>> -> memref<16x1024xf32, #tpu.memory_space<vmem>>
        %dma_start3A_211 = arith.constant 0 : i32
        %dma_start3A_212 = tpu.memref_slice %arg3[%add3A_199, %dma_start3A_211] : memref<65536x1024xf32, #tpu.memory_space<hbm>> -> memref<16x1024xf32, #tpu.memory_space<hbm>>
        tpu.enqueue_dma source(%dma_start3A_212 : memref<16x1024xf32, #tpu.memory_space<hbm>>) target(%dma_start3A_210 : memref<16x1024xf32, #tpu.memory_space<vmem>>) target_semaphore(%arg9 : memref<!tpu.dma_semaphore, #tpu.memory_space<semaphore_mem>>)
      } else {
      }
    }
    %scan3A_71 = arith.constant 32 : i32
    "tpu.region"() ({
      %run_scoped3A = tpu.sem_alloc : memref<!tpu.dma_semaphore, #tpu.memory_space<semaphore_mem>>
      %dma_start3A_72 = arith.constant 0 : i32
      %dma_start3A_73 = tpu.memref_slice %arg4[%add3A, %dma_start3A_72] : memref<32x16xf32, #tpu.memory_space<hbm>> -> memref<1x16xf32, #tpu.memory_space<hbm>>
      %dma_start3A_74 = tpu.memref_squeeze %dma_start3A_73 : memref<1x16xf32, #tpu.memory_space<hbm>> -> memref<16xf32, #tpu.memory_space<hbm>>
      %dma_start3A_75 = arith.constant 0 : i32
      %dma_start3A_76 = tpu.memref_slice %arg4[%add3A, %dma_start3A_75] : memref<32x16xf32, #tpu.memory_space<hbm>> -> memref<1x16xf32, #tpu.memory_space<hbm>>
      %dma_start3A_77 = tpu.memref_squeeze %dma_start3A_76 : memref<1x16xf32, #tpu.memory_space<hbm>> -> memref<16xf32, #tpu.memory_space<hbm>>
      tpu.enqueue_dma source(%arg7 : memref<16xf32, #tpu.memory_space<vmem>>) target(%dma_start3A_77 : memref<16xf32, #tpu.memory_space<hbm>>) target_semaphore(%run_scoped3A : memref<!tpu.dma_semaphore, #tpu.memory_space<semaphore_mem>>)
      %dma_wait3A = arith.constant 0 : i32
      %dma_wait3A_78 = tpu.memref_slice %arg4[%add3A, %dma_wait3A] : memref<32x16xf32, #tpu.memory_space<hbm>> -> memref<1x16xf32, #tpu.memory_space<hbm>>
      %dma_wait3A_79 = tpu.memref_squeeze %dma_wait3A_78 : memref<1x16xf32, #tpu.memory_space<hbm>> -> memref<16xf32, #tpu.memory_space<hbm>>
      %dma_wait3A_80 = arith.constant 0 : i32
      %dma_wait3A_81 = tpu.memref_slice %arg4[%add3A, %dma_wait3A_80] : memref<32x16xf32, #tpu.memory_space<hbm>> -> memref<1x16xf32, #tpu.memory_space<hbm>>
      %dma_wait3A_82 = tpu.memref_squeeze %dma_wait3A_81 : memref<1x16xf32, #tpu.memory_space<hbm>> -> memref<16xf32, #tpu.memory_space<hbm>>
      tpu.wait_dma2 semaphore(%run_scoped3A : memref<!tpu.dma_semaphore, #tpu.memory_space<semaphore_mem>>) src(%arg7 : memref<16xf32, #tpu.memory_space<vmem>>) dst(%dma_wait3A_82 : memref<16xf32, #tpu.memory_space<hbm>>)
      tpu.yield
    }) : () -> ()
    return
  }
}

module attributes {stable_mosaic.version = 14 : i64} {
  func.func @_tc_body(%arg0: i32, %arg1: memref<1024x1024xf32, #tpu.memory_space<vmem>>, %arg2: memref<1024x1024xf32, #tpu.memory_space<vmem>>, %arg3: memref<16x1xf32, #tpu.memory_space<vmem>>, %arg4: memref<16xf32, #tpu.memory_space<smem>>) attributes {dimension_semantics = [#tpu.dimension_semantics<arbitrary>], iteration_bounds = array<i64: 32>, scalar_prefetch = 0 : i64, scratch_operands = 1 : i64, tpu.core_type = #tpu.core_type<tc>, window_params = [{transform_indices = @transform_0, window_bounds = array<i64: 1024, 1024>}, {transform_indices = @transform_1, window_bounds = array<i64: 1024, 1024>}, {pipeline_mode = #tpu.pipeline_mode<synchronous>, transform_indices = @transform_2, window_bounds = array<i64: 16, 1>}]} {
    %jit3A = arith.constant 2 : i32
    %div3A = arith.divsi %arg0, %jit3A : i32
    %sign3A = arith.constant 0 : i32
    %sign3A_0 = arith.cmpi sgt, %arg0, %sign3A : i32
    %sign3A_1 = arith.extui %sign3A_0 : i1 to i32
    %sign3A_2 = arith.constant 0 : i32
    %sign3A_3 = arith.cmpi slt, %arg0, %sign3A_2 : i32
    %sign3A_4 = arith.extui %sign3A_3 : i1 to i32
    %sign3A_5 = arith.subi %sign3A_1, %sign3A_4 : i32
    %sign3A_6 = arith.constant 0 : i32
    %sign3A_7 = arith.cmpi sgt, %jit3A, %sign3A_6 : i32
    %sign3A_8 = arith.extui %sign3A_7 : i1 to i32
    %sign3A_9 = arith.constant 0 : i32
    %sign3A_10 = arith.cmpi slt, %jit3A, %sign3A_9 : i32
    %sign3A_11 = arith.extui %sign3A_10 : i1 to i32
    %sign3A_12 = arith.subi %sign3A_8, %sign3A_11 : i32
    %ne3A = arith.cmpi ne, %sign3A_5, %sign3A_12 : i32
    %rem3A = arith.remsi %arg0, %jit3A : i32
    %ne3A_13 = arith.constant 0 : i32
    %ne3A_14 = arith.cmpi ne, %rem3A, %ne3A_13 : i32
    %and3A = arith.andi %ne3A, %ne3A_14 : i1
    %sub3A = arith.constant 1 : i32
    %sub3A_15 = arith.subi %div3A, %sub3A : i32
    %select_n3A = arith.select %and3A, %sub3A_15, %div3A : i32
    %get3A = arith.constant 0 : index
    %get3A_16 = arith.constant 0 : index
    %get3A_17 = vector.load %arg1[%get3A, %get3A_16] : memref<1024x1024xf32, #tpu.memory_space<vmem>>, vector<1024x1024xf32>
    %get3A_18 = arith.constant 0 : index
    %get3A_19 = arith.constant 0 : index
    %get3A_20 = vector.load %arg2[%get3A_18, %get3A_19] : memref<1024x1024xf32, #tpu.memory_space<vmem>>, vector<1024x1024xf32>
    %sub3A_21 = arith.subf %get3A_17, %get3A_20 : vector<1024x1024xf32>
    %mul3A = arith.mulf %sub3A_21, %sub3A_21 : vector<1024x1024xf32>
    %reduce_sum3A = vector.shape_cast %mul3A : vector<1024x1024xf32> to vector<1x1024x1024xf32>
    %reduce_sum3A_22 = arith.constant dense<0.000000e+00> : vector<1xf32>
    %reduce_sum3A_23 = vector.multi_reduction <add>, %reduce_sum3A, %reduce_sum3A_22 [1, 2] : vector<1x1024x1024xf32> to vector<1xf32>
    %reduce_sum3A_24 = vector.shape_cast %reduce_sum3A_23 : vector<1xf32> to vector<1x1x1xf32>
    %reduce_sum3A_25 = vector.extract %reduce_sum3A_24[0, 0, 0] : f32 from vector<1x1x1xf32>
    %jit3A_26 = arith.constant 2 : i32
    %eq3A = arith.constant 0 : i32
    %eq3A_27 = arith.cmpi eq, %jit3A_26, %eq3A : i32
    %jit3A_28 = arith.constant 1 : i32
    %select_n3A_29 = arith.select %eq3A_27, %jit3A_28, %jit3A_26 : i32
    %rem3A_30 = arith.remsi %arg0, %select_n3A_29 : i32
    %ne3A_31 = arith.constant 0 : i32
    %ne3A_32 = arith.cmpi ne, %rem3A_30, %ne3A_31 : i32
    %lt3A = arith.constant 0 : i32
    %lt3A_33 = arith.cmpi slt, %rem3A_30, %lt3A : i32
    %lt3A_34 = arith.constant 0 : i32
    %lt3A_35 = arith.cmpi slt, %select_n3A_29, %lt3A_34 : i32
    %ne3A_36 = arith.xori %lt3A_33, %lt3A_35 : i1
    %and3A_37 = arith.andi %ne3A_36, %ne3A_32 : i1
    %add3A = arith.addi %rem3A_30, %select_n3A_29 : i32
    %select_n3A_38 = arith.select %and3A_37, %add3A, %rem3A_30 : i32
    %eq3A_39 = arith.constant 0 : i32
    %eq3A_40 = arith.cmpi eq, %select_n3A_38, %eq3A_39 : i32
    %convert_element_type3A = arith.extui %eq3A_40 : i1 to i32
    %cond3A = arith.constant 0 : i32
    %cond3A_41 = arith.cmpi ne, %convert_element_type3A, %cond3A : i32
    scf.if %cond3A_41 {
      %swap3A = arith.index_cast %select_n3A : i32 to index
      %swap3A_68 = memref.load %arg4[%swap3A] : memref<16xf32, #tpu.memory_space<smem>>
      memref.store %reduce_sum3A_25, %arg4[%swap3A] : memref<16xf32, #tpu.memory_space<smem>>
    } else {
    }
    %jit3A_42 = arith.constant 2 : i32
    %eq3A_43 = arith.constant 0 : i32
    %eq3A_44 = arith.cmpi eq, %jit3A_42, %eq3A_43 : i32
    %jit3A_45 = arith.constant 1 : i32
    %select_n3A_46 = arith.select %eq3A_44, %jit3A_45, %jit3A_42 : i32
    %rem3A_47 = arith.remsi %arg0, %select_n3A_46 : i32
    %ne3A_48 = arith.constant 0 : i32
    %ne3A_49 = arith.cmpi ne, %rem3A_47, %ne3A_48 : i32
    %lt3A_50 = arith.constant 0 : i32
    %lt3A_51 = arith.cmpi slt, %rem3A_47, %lt3A_50 : i32
    %lt3A_52 = arith.constant 0 : i32
    %lt3A_53 = arith.cmpi slt, %select_n3A_46, %lt3A_52 : i32
    %ne3A_54 = arith.xori %lt3A_51, %lt3A_53 : i1
    %and3A_55 = arith.andi %ne3A_54, %ne3A_49 : i1
    %add3A_56 = arith.addi %rem3A_47, %select_n3A_46 : i32
    %select_n3A_57 = arith.select %and3A_55, %add3A_56, %rem3A_47 : i32
    %ne3A_58 = arith.constant 0 : i32
    %ne3A_59 = arith.cmpi ne, %select_n3A_57, %ne3A_58 : i32
    %convert_element_type3A_60 = arith.extui %ne3A_59 : i1 to i32
    %cond3A_61 = arith.constant 0 : i32
    %cond3A_62 = arith.cmpi ne, %convert_element_type3A_60, %cond3A_61 : i32
    scf.if %cond3A_62 {
      %get3A_68 = arith.index_cast %select_n3A : i32 to index
      %get3A_69 = memref.load %arg4[%get3A_68] : memref<16xf32, #tpu.memory_space<smem>>
      %add3A_70 = arith.addf %get3A_69, %reduce_sum3A_25 : f32
      %swap3A = arith.index_cast %select_n3A : i32 to index
      %swap3A_71 = memref.load %arg4[%swap3A] : memref<16xf32, #tpu.memory_space<smem>>
      memref.store %add3A_70, %arg4[%swap3A] : memref<16xf32, #tpu.memory_space<smem>>
    } else {
    }
    %eq3A_63 = arith.constant 31 : i32
    %eq3A_64 = arith.cmpi eq, %arg0, %eq3A_63 : i32
    %convert_element_type3A_65 = arith.extui %eq3A_64 : i1 to i32
    %cond3A_66 = arith.constant 0 : i32
    %cond3A_67 = arith.cmpi ne, %convert_element_type3A_65, %cond3A_66 : i32
    scf.if %cond3A_67 {
      %iota3A = tpu.iota {dimensions = array<i32: 0>} : vector<16x1xi32>
      %broadcast_in_dim3A = arith.constant 0.000000e+00 : f32
      %broadcast_in_dim3A_68 = vector.broadcast %broadcast_in_dim3A : f32 to vector<16x1xf32>
      %scan3A = arith.constant 0 : i32
      %scan3A_69 = arith.constant 16 : i32
      %scan3A_70 = arith.addi %scan3A, %scan3A_69 : i32
      %scan3A_71 = arith.constant 1 : i32
      %scan3A_72 = scf.for %scan3A_76 = %scan3A to %scan3A_70 step %scan3A_71 iter_args(%scan3A_77 = %broadcast_in_dim3A_68) -> (vector<16x1xf32>)  : i32 {
        %eq3A_78 = vector.broadcast %scan3A_76 : i32 to vector<16x1xi32>
        %eq3A_79 = arith.cmpi eq, %iota3A, %eq3A_78 : vector<16x1xi32>
        %get3A_80 = arith.index_cast %scan3A_76 : i32 to index
        %get3A_81 = memref.load %arg4[%get3A_80] : memref<16xf32, #tpu.memory_space<smem>>
        %broadcast_in_dim3A_82 = vector.broadcast %get3A_81 : f32 to vector<16x1xf32>
        %select_n3A_83 = arith.select %eq3A_79, %broadcast_in_dim3A_82, %scan3A_77 : vector<16x1xi1>, vector<16x1xf32>
        scf.yield %select_n3A_83 : vector<16x1xf32>
      }
      %scan3A_73 = arith.constant 16 : i32
      %swap3A = arith.constant 0 : index
      %swap3A_74 = arith.constant 0 : index
      %swap3A_75 = vector.load %arg3[%swap3A, %swap3A_74] : memref<16x1xf32, #tpu.memory_space<vmem>>, vector<16x1xf32>
      tpu.vector_store %arg3[%swap3A, %swap3A_74], %scan3A_72 {strides = array<i32>} : memref<16x1xf32, #tpu.memory_space<vmem>>, vector<16x1xf32>,
    } else {
    }
    return
  }
  func.func @transform_0(%arg0: i32) -> (i32, i32) {
    %c0_i32 = arith.constant 0 : i32
    %c0_i32_0 = arith.constant 0 : i32
    return %arg0, %c0_i32 : i32, i32
  }
  func.func @transform_1(%arg0: i32) -> (i32, i32) {
    %c0_i32 = arith.constant 0 : i32
    %c0_i32_0 = arith.constant 0 : i32
    return %arg0, %c0_i32 : i32, i32
  }
  func.func @transform_2(%arg0: i32) -> (i32, i32) {
    %c0_i32 = arith.constant 0 : i32
    %c0_i32_0 = arith.constant 0 : i32
    %c0_i32_1 = arith.constant 0 : i32
    return %c0_i32, %c0_i32_0 : i32, i32
  }
}

module attributes {stable_mosaic.version = 14 : i64} {
  func.func @_topk_body(%arg0: memref<16x1xf32, #tpu.memory_space<vmem>>, %arg1: memref<16x32xf32, #tpu.memory_space<vmem>>, %arg2: memref<1x16xf32, #tpu.memory_space<vmem>>) attributes {dimension_semantics = [], scalar_prefetch = 0 : i64, scratch_operands = 0 : i64, tpu.core_type = #tpu.core_type<tc>} {
    %get3A = arith.constant 0 : index
    %get3A_0 = arith.constant 0 : index
    %get3A_1 = vector.load %arg1[%get3A, %get3A_0] : memref<16x32xf32, #tpu.memory_space<vmem>>, vector<16x32xf32>
    %reduce_sum3A = arith.constant dense<0.000000e+00> : vector<16xf32>
    %reduce_sum3A_2 = vector.multi_reduction <add>, %get3A_1, %reduce_sum3A [1] : vector<16x32xf32> to vector<16xf32>
    %broadcast_in_dim3A = vector.shape_cast %reduce_sum3A_2 : vector<16xf32> to vector<16x1xf32>
    %get3A_3 = arith.constant 0 : index
    %get3A_4 = arith.constant 0 : index
    %get3A_5 = vector.load %arg0[%get3A_3, %get3A_4] : memref<16x1xf32, #tpu.memory_space<vmem>>, vector<16x1xf32>
    %concatenate3A = tpu.concatenate %get3A_5, %broadcast_in_dim3A in 0 : vector<16x1xf32>, vector<16x1xf32> -> vector<32x1xf32>
    %mul3A = arith.constant 4.76837158E-7 : f32
    %mul3A_6 = vector.broadcast %mul3A : f32 to vector<32x1xf32>
    %mul3A_7 = arith.mulf %concatenate3A, %mul3A_6 : vector<32x1xf32>
    %iota3A = tpu.iota {dimensions = array<i32: 0>} : vector<32x1xi32>
    %iota3A_8 = tpu.iota {dimensions = array<i32: 1>} : vector<1x16xi32>
    %broadcast_in_dim3A_9 = arith.constant 0.000000e+00 : f32
    %broadcast_in_dim3A_10 = vector.broadcast %broadcast_in_dim3A_9 : f32 to vector<1x16xf32>
    %scan3A = arith.constant 0 : i32
    %scan3A_11 = arith.constant 16 : i32
    %scan3A_12 = arith.addi %scan3A, %scan3A_11 : i32
    %scan3A_13 = arith.constant 1 : i32
    %scan3A_14:2 = scf.for %scan3A_18 = %scan3A to %scan3A_12 step %scan3A_13 iter_args(%scan3A_19 = %mul3A_7, %scan3A_20 = %broadcast_in_dim3A_10) -> (vector<32x1xf32>, vector<1x16xf32>)  : i32 {
      %reduce_max3A = vector.shape_cast %scan3A_19 : vector<32x1xf32> to vector<1x32x1xf32>
      %reduce_max3A_21 = arith.constant dense<0xFF800000> : vector<1xf32>
      %reduce_max3A_22 = vector.multi_reduction <maximumf>, %reduce_max3A, %reduce_max3A_21 [1, 2] : vector<1x32x1xf32> to vector<1xf32>
      %reduce_max3A_23 = vector.shape_cast %reduce_max3A_22 : vector<1xf32> to vector<1x1x1xf32>
      %reduce_max3A_24 = vector.extract %reduce_max3A_23[0, 0, 0] : f32 from vector<1x1x1xf32>
      %eq3A = vector.broadcast %scan3A_18 : i32 to vector<1x16xi32>
      %eq3A_25 = arith.cmpi eq, %iota3A_8, %eq3A : vector<1x16xi32>
      %broadcast_in_dim3A_26 = vector.broadcast %reduce_max3A_24 : f32 to vector<1x16xf32>
      %select_n3A = arith.select %eq3A_25, %broadcast_in_dim3A_26, %scan3A_20 : vector<1x16xi1>, vector<1x16xf32>
      %eq3A_27 = vector.broadcast %reduce_max3A_24 : f32 to vector<32x1xf32>
      %eq3A_28 = arith.cmpf oeq, %scan3A_19, %eq3A_27 : vector<32x1xf32>
      %jit3A = arith.constant 64 : i32
      %broadcast_in_dim3A_29 = vector.broadcast %jit3A : i32 to vector<32x1xi32>
      %select_n3A_30 = arith.select %eq3A_28, %iota3A, %broadcast_in_dim3A_29 : vector<32x1xi1>, vector<32x1xi32>
      %reduce_min3A = vector.shape_cast %select_n3A_30 : vector<32x1xi32> to vector<1x32x1xi32>
      %reduce_min3A_31 = arith.constant dense<2147483647> : vector<1xi32>
      %reduce_min3A_32 = vector.multi_reduction <minsi>, %reduce_min3A, %reduce_min3A_31 [1, 2] : vector<1x32x1xi32> to vector<1xi32>
      %reduce_min3A_33 = vector.shape_cast %reduce_min3A_32 : vector<1xi32> to vector<1x1x1xi32>
      %reduce_min3A_34 = vector.extract %reduce_min3A_33[0, 0, 0] : i32 from vector<1x1x1xi32>
      %eq3A_35 = vector.broadcast %reduce_min3A_34 : i32 to vector<32x1xi32>
      %eq3A_36 = arith.cmpi eq, %iota3A, %eq3A_35 : vector<32x1xi32>
      %jit3A_37 = arith.constant 0xFF800000 : f32
      %broadcast_in_dim3A_38 = vector.broadcast %jit3A_37 : f32 to vector<32x1xf32>
      %select_n3A_39 = arith.select %eq3A_36, %broadcast_in_dim3A_38, %scan3A_19 : vector<32x1xi1>, vector<32x1xf32>
      scf.yield %select_n3A_39, %select_n3A : vector<32x1xf32>, vector<1x16xf32>
    }
    %scan3A_15 = arith.constant 16 : i32
    %swap3A = arith.constant 0 : index
    %swap3A_16 = arith.constant 0 : index
    %swap3A_17 = vector.load %arg2[%swap3A, %swap3A_16] : memref<1x16xf32, #tpu.memory_space<vmem>>, vector<1x16xf32>
    tpu.vector_store %arg2[%swap3A, %swap3A_16], %scan3A_14#1 {strides = array<i32>} : memref<1x16xf32, #tpu.memory_space<vmem>>, vector<1x16xf32>,
    return
  }
}

</mosaic_0001>

<sc_bundles>
// kernel: kernel.5.cloned.1.call-start
scs
__scs_entry_jumppad:
0x0: {  	(pc) =	sbr.rel $0x88, $3  }
0x1: {  	(tag) =	ssettag $0x0;
	lr =	simm.s32 $0x1  }
0x2: {  	[smem:$0x3F9F] =	sst lr;
	_ =	strace $0xD0000000  }
0x3: {  	_ = 	snop  }
0x4: {  	_ = 	snop  }
0x5: {  	_ = 	snop  }
0x6: {  	_ = 	snop  }
0x7: {  	_ = 	snop  }
__scs_overlays_trampoline_lowered:
0x8: {  	[smem:$0x3FAE] =	sst s0  }
0x9: {  	[smem:$0x3FAF] =	sst s1  }
0xa: {  	[smem:$0x3FB0] =	sst s2  }
0xb: {  	[smem:$0x3FB1] =	sst s3  }
0xc: {  	[smem:$0x3FB2] =	sst s4  }
0xd: {  	[smem:$0x3FB3] =	sst s5  }
0xe: {  	[smem:$0x3FB4] =	sst s6  }
0xf: {  	[smem:$0x3FB5] =	sst s7  }
0x10: {  	[smem:$0x3FB6] =	sst s8  }
0x11: {  	[smem:$0x3FB7] =	sst s9;
	s0 =	simm.s32 @!p0 $0x0  }
0x12: {  	s1 =	sld [smem:$0x3F9D];
	s0 =	simm.s32 @p0 $0x1  }
0x13: {  	[smem:$0x3FB8] =	sst s0;
	s0 =	simm.s32 @!p1 $0x0  }
0x14: {  	s2 =	sld [smem:$0x3F9C];
	s0 =	simm.s32 @p1 $0x1  }
0x15: {  	[smem:$0x3FB9] =	sst s0;
	s0 =	simm.s32 @!p2 $0x0  }
0x16: {  	s3 =	sld [smem:$0x3FDB];
	s0 =	simm.s32 @p2 $0x1  }
0x17: {  	s4 =	simm.s32 $0x1BF5;
	[smem:$0x3FBB] =	sst s0  }
0x18: {  	s0 =	sld [smem:$0x3F9E];
	_ =	swait.ge [sflag:s4], $0x0  }
0x19: {  	s7 =	sld [smem:$0x3F9F]  }
0x1a: {  	s8 =	sadd.s32 $0xFFFFE003, lr  }
0x1b: {  	s9 =	sadd.s32 $0xFFFFFEF7, lr;
	s5 =	simm.s32 $0xFFFFFFFF;
	p2 =	slt.u32 s8, $0xFFFFF086  }
0x1c: {  	p1 =	slt.u32 s9, $0xF7A;
	s5 =	simm.s32 @!p2 $0x0  }
0x1d: {  	s5 =	simm.s32 @p1 $0x1;
	p0 =	seq.s32 s7, s2  }
0x1e: {  	s7 =	smul.u32 @!p0 $0xF7A, s2;
	p2 =	seq.s32 @!p0 s5, $0x0  }
0x1f: {  	s9 =	smul.u32 $0xF7A, s1;
	s8 =	simm.s32 @!p0 $0x1BF5;
	p2 =	por !p2, p0  }
0x20: {  	[sflag:s8] =	ssyncset.s32 @!p0 $0xFFFFF086;
	s6 =	sadd.s32 @!p0 s3, s7;
	s7 =	simm.s32 @!p0 $0x108  }
0x21: {  	s3 =	sadd.s32 s3, s9;
	s6 =	sadd.s32 @!p0 $0x88, s6;
	s7 =	simm.s32 @p2 $0x1082  }
0x22: {  	[simem:s7], [sflag:s8] =	dma.local @!p0 [hbm:s6], $0xF7A  }
0x23: {  	s9 =	sor.u32 $0xD0000000, s2;
	s6 =	simm.s32 $0x108;
	_ =	swait.ge @!p0 [sflag:s8], $0x0  }
0x24: {  	s3 =	sadd.s32 $0x88, s3;
	s6 =	simm.s32 @!p1 $0x1082;
	[sflag:s4] =	ssyncset.s32 $0xFFFFF086  }
0x25: {  	[simem:s6], [sflag:s4] =	dma.local [hbm:s3], $0xF7A  }
0x26: {  	[smem:$0x3F9F] =	sst s1;
	(tag) =	ssettag s2;
	_ =	strace s9  }
0x27: {  	s1 =	sld [smem:$0x3FAF]  }
0x28: {  	s2 =	sld [smem:$0x3FB0]  }
0x29: {  	s4 =	sld [smem:$0x3FB2]  }
0x2a: {  	p0 =	seq.s32 s5, $0x0;
	s5 =	sld [smem:$0x3FB3]  }
0x2b: {  	s6 =	sld [smem:$0x3FB4]  }
0x2c: {  	s7 =	sld [smem:$0x3FB5]  }
0x2d: {  	s3 =	simm.s32 $0x108;
	s8 =	sld [smem:$0x3FB6]  }
0x2e: {  	s3 =	simm.s32 @!p0 $0x1082;
	s9 =	sld [smem:$0x3FB7]  }
0x2f: {  	lr =	sadd.s32 s0, s3;
	s0 =	sld [smem:$0x3FAE]  }
0x30: {  	s3 =	sld [smem:$0x3FB1]  }
0x31: {  	[smem:$0x3FBA] =	sst s10  }
0x32: {  	s10 =	sld [smem:$0x3FB8];
	_ =	sdelay $0x3  }
0x33: {  	p0 =	seq.s32 s10, $0x1;
	s10 =	sld [smem:$0x3FBA];
	_ =	sdelay $0x3  }
0x34: {  	[smem:$0x3FBA] =	sst s10  }
0x35: {  	s10 =	sld [smem:$0x3FB9];
	_ =	sdelay $0x3  }
0x36: {  	p1 =	seq.s32 s10, $0x1;
	s10 =	sld [smem:$0x3FBA];
	_ =	sdelay $0x3  }
0x37: {  	[smem:$0x3FBA] =	sst s10  }
0x38: {  	s10 =	sld [smem:$0x3FBB]  }
0x39: {  	_ = 	snop;
	(pc) =	sbr.ind lr, $3  }
0x3a: {  	_ = 	snop  }
0x3b: {  	_ = 	snop  }
0x3c: {  	p2 =	seq.s32 s10, $0x1;
	s10 =	sld [smem:$0x3FBA]  }
0x3d: {  	_ =	shalt  }
0x3e: {  	_ =	shalt  }
0x3f: {  	_ =	shalt  }
0x40: {  	_ =	shalt  }
0x41: {  	_ =	shalt  }
0x42: {  	_ =	shalt  }
0x43: {  	_ =	shalt  }
0x44: {  	_ =	shalt  }
0x45: {  	_ =	shalt  }
0x46: {  	_ =	shalt  }
0x47: {  	_ =	shalt  }
0x48: {  	_ =	shalt  }
0x49: {  	_ =	shalt  }
0x4a: {  	_ =	shalt  }
0x4b: {  	_ =	shalt  }
0x4c: {  	_ =	shalt  }
0x4d: {  	_ =	shalt  }
0x4e: {  	_ =	shalt  }
0x4f: {  	_ =	shalt  }
0x50: {  	_ =	shalt  }
0x51: {  	_ =	shalt  }
0x52: {  	_ =	shalt  }
0x53: {  	_ =	shalt  }
0x54: {  	_ =	shalt  }
0x55: {  	_ =	shalt  }
0x56: {  	_ =	shalt  }
0x57: {  	_ =	shalt  }
0x58: {  	_ =	shalt  }
0x59: {  	_ =	shalt  }
0x5a: {  	_ =	shalt  }
0x5b: {  	_ =	shalt  }
0x5c: {  	_ =	shalt  }
0x5d: {  	_ =	shalt  }
0x5e: {  	_ =	shalt  }
0x5f: {  	_ =	shalt  }
0x60: {  	_ =	shalt  }
0x61: {  	_ =	shalt  }
0x62: {  	_ =	shalt  }
0x63: {  	_ =	shalt  }
0x64: {  	_ =	shalt  }
0x65: {  	_ =	shalt  }
0x66: {  	_ =	shalt  }
0x67: {  	_ =	shalt  }
0x68: {  	_ =	shalt  }
0x69: {  	_ =	shalt  }
0x6a: {  	_ =	shalt  }
0x6b: {  	_ =	shalt  }
0x6c: {  	_ =	shalt  }
0x6d: {  	_ =	shalt  }
0x6e: {  	_ =	shalt  }
0x6f: {  	_ =	shalt  }
0x70: {  	_ =	shalt  }
0x71: {  	_ =	shalt  }
0x72: {  	_ =	shalt  }
0x73: {  	_ =	shalt  }
0x74: {  	_ =	shalt  }
0x75: {  	_ =	shalt  }
0x76: {  	_ =	shalt  }
0x77: {  	_ =	shalt  }
0x78: {  	_ =	shalt  }
0x79: {  	_ =	shalt  }
0x7a: {  	_ =	shalt  }
0x7b: {  	_ =	shalt  }
0x7c: {  	_ =	shalt  }
0x7d: {  	_ =	shalt  }
0x7e: {  	_ =	shalt  }
0x7f: {  	_ =	shalt  }
0x80: {  	_ =	shalt  }
0x81: {  	_ =	shalt  }
0x82: {  	_ =	shalt  }
0x83: {  	_ =	shalt  }
0x84: {  	_ =	shalt  }
0x85: {  	_ =	shalt  }
0x86: {  	_ =	shalt  }
0x87: {  	_ =	shalt  }
.Lfunc_end0:
.L_simem_size_0:
called_computation_lowered:
.L_overlay_start_0:
0x88: {  	s2 =	sld [smem:$0x3FD9]  }
0x89: {  	s3 =	sld [smem:$0x3FFE];
	_ =	sdelay $0x1  }
0x8a: {  	s1 =	srdreg.scid  }
0x8b: {  	s0 =	sand.u32 $0x1, s1  }
0x8c: {  	s17 =	sshll.u32 s0, $0xA;
	s2 =	sadd.s32 s3, s2  }
0x8d: {  	s2 =	sadd.s32 s2, s17  }
0x8e: {  	[smem:$0x3FC6] =	sst s2  }
0x8f: {  	_ = 	snop  }
0x90: {  	s2 =	sld [smem:$0x3FC9]  }
0x91: {  	s18 =	sld [smem:$0x3FC8];
	(tm) =	ssettm $0x1  }
0x92: {  	s4 =	sld [smem:$0x3FFB];
	_ =	sdelay $0x3  }
0x93: {  	_ =	strace s4  }
0x94: {  	s4 =	sld [smem:$0x3FFC];
	_ =	sdelay $0x3  }
0x95: {  	_ =	strace s4  }
0x96: {  	s4 =	sld [smem:$0x3FFD];
	_ =	sdelay $0x3  }
0x97: {  	_ =	strace s4  }
0x98: {  	_ =	strace $0x8FFFFFFF  }
0x99: {  	s19 =	sld [smem:$0x3FDB];
	_ =	sdelay $0x1  }
0x9a: {  	s5 =	simm.s32 $_scs_section_size  }
0x9b: {  	s6 =	simm.s32 $_size__tile_overlayer_lowered;
	s7 =	simm.s32 $_tile_overlayer_lowered  }
0x9c: {  	s22 =	simm.s32 $0x1BFF;
	s21 =	sshll.u32 s7, $0x1;
	s4 =	sadd.s32 s5, s19  }
0x9d: {  	s8 =	simm.s32 $0x0;
	s20 =	sshll.u32 s6, $0x1;
	s6 =	sadd.s32 s21, s4  }
0x9e: {  	[timem:s8], [sflag:s22] =	dma.local [hbm:s6], s20  }
0x9f: {  	_ =	swait.ge [sflag:s22], s20  }
0xa0: {  	s5 =	ssub.s32 $0x0, s20;
	[sflag:s22] =	ssyncset.done $0x0  }
0xa1: {  	[sflag:s22] =	ssyncadd.s32 s5;
	_ =	sdelay $0x1  }
0xa2: {  	s23 =	simm.s32 $0x1B8B  }
0xa3: {  	_ =	swait.ge [sflag:s23], $0x1  }
0xa4: {  	[sflag:s23] =	ssyncset.done $0x0  }
0xa5: {  	s25 =	simm.s32 $0x1B8E;
	s24 =	sld [smem:$0x3FFE];
	[sflag:s23] =	ssyncadd.s32 $0xFFFFFFFF  }
0xa6: {  	s26 =	simm.s32 $execute0_lowered;
	[smem:$0x3FD2] =	sst s25  }
0xa7: {  	s6 =	sshll.u32 s26, $0x1;
	_ =	strace $0x80000046;
	[dreg:$0x1] =	wrdreg $0xFFFFFFFF  }
0xa8: {  	s28 =	simm.s32 $_size_execute0_lowered;
	s4 =	sadd.s32 s4, s6;
	[dreg:$0x0] =	wrdreg $0x0  }
0xa9: {  	s6 =	sshll.u32 s28, $0x1;
	[dreg:$0x2] =	wrdreg s4  }
0xaa: {  	[dreg:$0x3] =	wrdreg s6  }
0xab: {  	[dreg:$0x4] =	wrdreg $0xC0  }
0xac: {  	_ =	task [dreg:s8], $0x5FFFF  }
0xad: {  	[dreg:$0x1] =	wrdreg $0xFFFFFFFF  }
0xae: {  	[dreg:$0x0] =	wrdreg $0x60  }
0xaf: {  	[dreg:$0x2] =	wrdreg s2  }
0xb0: {  	[dreg:$0x3] =	wrdreg s18  }
0xb1: {  	[dreg:$0x4] =	wrdreg s24  }
0xb2: {  	[dreg:$0x5] =	wrdreg $0x9  }
0xb3: {  	_ =	task.clear_ibuf [dreg:s8], $0x6FFFF;
	_ =	strace $0x90000046  }
0xb4: {  	s29 =	simm.s32 $0x9;
	_ =	strace $0x80000048  }
0xb5: {  	_ =	swait.ge [sflag:s29], $0x1  }
0xb6: {  	[sflag:s29] =	ssyncadd.s32 $0xFFFFFFFF  }
0xb7: {  	_ =	strace $0x90000048  }
0xb8: {  	_ =	sfence  }
0xb9: {  	s30 =	sld [smem:$0x0];
	_ =	sdelay $0x2  }
0xba: {  	s31 =	sshll.u32 s1, $0xD;
	s1 =	sshrl.u32 s1, $0x2  }
0xbb: {  	s3 =	sand.u32 $0x4000, s31;
	s1 =	sadd.s32 s1, s30  }
0xbc: {  	s0 =	sor.u32 s3, s0;
	s1 =	sshll.u32 s1, $0x11  }
0xbd: {  	s0 =	sor.u32 s1, s0  }
0xbe: {  	s0 =	sadd.s32 $0x8F2B, s0  }
0xbf: {  	[sflag:s0] =	ssyncadd.remote.s32 $0x1  }
0xc0: {  	_ =	sfence.sel $0xFFFF  }
0xc1: {  	[dreg:$0x0] =	wrdreg $0xFFFFFFFF;
	(pc) =	sbr.abs _section_cstart, $3  }
0xc2: {  	[dreg:$0x1] =	wrdreg $0xFFFFFFFF  }
0xc3: {  	_ =	task.clear_ibuf [dreg:s8], $0x2FFFF;
	_ =	strace $0x9FFFFFFF  }
0xc4: {  	(tm) =	ssettm $0x7FFFFFFF  }
0xc5: {  	_ =	shalt  }
tec
execute0_lowered:
.L_overlay_start_1:
0x0: {  	(tag) =	ssettag $0x1  }
0x1: {  	s1 =	rddreg [dreg:$0x0]  }
0x2: {  	s2 =	rddreg [dreg:$0x1]  }
0x3: {  	s5 =	rddreg [dreg:$0x2]  }
0x4: {  	s0 =	rddreg [dreg:$0x3]  }
0x5: {  	s4 =	simm.s32 $0x0;
	s6 =	srdreg.scid;
	s3 =	stileid.u32  }
0x6: {  	s13 =	simm.s32 $0x8000;
	s14 =	simm.s32 $0x4000;
	s15 =	simm.s32 $0xC000  }
0x7: {  	s16 =	simm.s32 $0x1;
	s17 =	simm.s32 $0x2;
	s18 =	simm.s32 $0x10000  }
0x8: {  	s19 =	simm.s32 $0x3;
	s6 =	sand.u32 $0x1, s6;
	s7 =	sshll.u32 s3, $0x1  }
0x9: {  	s20 =	simm.s32 $0x0;
	[smem:$0x7FF] =	sst s4;
	s7 =	sor.u32 s6, s7  }
0xa: {  	_ =	strace $0x80000047;
	s6 =	ssub.s32 $0x2, s6;
	s8 =	sshll.u32 s7, $0x4  }
.Ltmp0:
0xb: {  	s10 =	sshll.u32 s7, $0x11;
	s30 =	sshrl.u32 s6, $0x1;
	(pc) =	sbr.rel .LBB2_1-.Ltmp0, $4  }
0xc: {  	s11 =	sadd.s32 s8, s5;
	s7 =	sor.u32 $0x400000, s10;
	s31 =	sor.u32 $0x400800, s10  }
0xd: {  	s12 =	ssub.s32 s6, s30;
	s9 =	sor.u32 $0x401000, s10;
	s10 =	sor.u32 $0x401800, s10  }
0xe: {  	s5 =	sadd.s32 s1, s7;
	s6 =	sadd.s32 s2, s7;
	s7 =	sadd.s32 s1, s31  }
0xf: {  	v0 =	vimm.f32 $0.0e+00;
	s8 =	sadd.s32 s2, s31;
	s11 =	sadd.s32 $0x400, s11;
	s12 =	smax.u32 s12, $0x1  }
.LBB2_8:
0x10: {  	s20 =	sadd.s32 $0x1, s20  }
0x11: {  	p0 =	sne.s32 s20, s12  }
.Ltmp1:
0x12: {  	_ = 	snop;
	(pc) =	sbr.rel @!p0 .LBB2_9-.Ltmp1, $4  }
0x13: {  	[hbm4b:s11+s4] =	stream.linear.scatter [tilespmem:s18], [sflag:$0x3], $0x80, $0x38;
	[tilespmem:$0x10080] =	vst v63  }
0x14: {  	_ =	swait.ge [sflag:s19], $0x80  }
0x15: {  	[sflag:s19] =	ssyncset.done $0x0  }
0x16: {  	[sflag:s19] =	ssyncadd.s32 $0xFFFFFF80  }
.LBB2_1:
0x17: {  	[tilespmem:s4], [sflag:$0x1] =	stream.linear.gather [hbm4b:s5+s4], $0x4000, $0x38;
	[tilespmem:$0x10080] =	vst v63  }
0x18: {  	_ = 	snop  }
0x19: {  	[tilespmem:s13], [sflag:$0x1] =	stream.linear.gather [hbm4b:s6+s4], $0x4000, $0x38;
	[tilespmem:$0x10080] =	vst v63  }
0x1a: {  	_ = 	snop  }
0x1b: {  	[tilespmem:s14], [sflag:$0x2] =	stream.linear.gather [hbm4b:s7+s4], $0x4000, $0x38;
	[tilespmem:$0x10080] =	vst v63  }
0x1c: {  	_ = 	snop  }
0x1d: {  	[tilespmem:s15], [sflag:$0x2] =	stream.linear.gather [hbm4b:s8+s4], $0x4000, $0x38;
	[tilespmem:$0x10080] =	vst v63  }
0x1e: {  	s21 =	simm.s32 $0x0;
	[tilespmem:$0x10000] =	vst v0  }
.LBB2_2:
0x1f: {  	_ =	swait.ge [sflag:s16], $0x4000  }
0x20: {  	[sflag:s16] =	ssyncset.done $0x0  }
0x21: {  	[sflag:s16] =	ssyncadd.s32 $0xFFFFC000  }
0x22: {  	s22 =	simm.s32 $0x0;
	_ =	swait.ge [sflag:s16], $0x4000  }
0x23: {  	s23 =	sand.u32 $0x70, s22;
	s24 =	sand.u32 $0x1C00, s22;
	[sflag:s16] =	ssyncset.done $0x0  }
0x24: {  	s23 =	sor.u32 s23, s24;
	[sflag:s16] =	ssyncadd.s32 $0xFFFFC000  }
0x25: {  	v1 =	vld [tilespmem:s23+$0x0]  }
0x26: {  	v4 =	vld [tilespmem:s23+$0x8000]  }
0x27: {  	v10 =	vld [tilespmem:s23+$0x80]  }
0x28: {  	v11 =	vld [tilespmem:s23+$0x8080]  }
0x29: {  	v13 =	vld [tilespmem:s23+$0x100]  }
0x2a: {  	v14 =	vld [tilespmem:s23+$0x8100]  }
0x2b: {  	v15 =	vld [tilespmem:s23+$0x180]  }
0x2c: {  	v16 =	vld [tilespmem:s23+$0x8180]  }
0x2d: {  	v18 =	vld [tilespmem:s23+$0x200]  }
0x2e: {  	v19 =	vld [tilespmem:s23+$0x8200]  }
0x2f: {  	v23 =	vld [tilespmem:s23+$0x280]  }
0x30: {  	v24 =	vld [tilespmem:s23+$0x8280]  }
0x31: {  	s22 =	sor.u32 s22, s22;
	v25 =	vld [tilespmem:s23+$0x300]  }
0x32: {  	s31 =	sor.u32 $0x380, s22;
	v26 =	vld [tilespmem:s23+$0x8300]  }
0x33: {  	v27 =	vld [tilespmem:s31+$0x0]  }
0x34: {  	v28 =	vld [tilespmem:s31+$0x8000]  }
0x35: {  	v29 =	vld [tilespmem:s23+$0x2000]  }
0x36: {  	v30 =	vld [tilespmem:s23+$0xA000]  }
0x37: {  	v9 =	vld [tilespmem:s23+$0x2080]  }
0x38: {  	v12 =	vld [tilespmem:s23+$0xA080]  }
0x39: {  	v7 =	vld [tilespmem:s23+$0x2100]  }
0x3a: {  	v8 =	vld [tilespmem:s23+$0xA100]  }
0x3b: {  	v3 =	vld [tilespmem:s23+$0x2180]  }
0x3c: {  	v5 =	vld [tilespmem:s23+$0xA180]  }
0x3d: {  	v2 =	vld [tilespmem:s23+$0x2200]  }
0x3e: {  	v6 =	vld [tilespmem:s23+$0xA200];
	v20 =	vsub.f32 v1, v4  }
0x3f: {  	v22 =	vsub.f32 v10, v11;
	v17 =	vsub.f32 v13, v14;
	v4 =	vld [tilespmem:s23+$0x2280]  }
0x40: {  	v21 =	vsub.f32 v15, v16;
	v16 =	vsub.f32 v18, v19;
	v11 =	vld [tilespmem:s23+$0xA280]  }
0x41: {  	v18 =	vsub.f32 v23, v24;
	v14 =	vsub.f32 v25, v26;
	v10 =	vld [tilespmem:s23+$0x2300]  }
0x42: {  	s25 =	sor.u32 $0x2380, s22;
	s22 =	simm.s32 $0x80;
	v1 =	vimm.f32 $0.0e+00;
	v19 =	vsub.f32 v27, v28;
	v15 =	vsub.f32 v29, v30;
	v13 =	vld [tilespmem:s23+$0xA300];
	s23 =	simm.s32 $0x10  }
.LBB2_3:
0x43: {  	s24 =	sand.u32 $0x70, s23;
	s26 =	sand.u32 $0x1C00, s22;
	p0 =	sne.s32 s23, $0x3F0;
	v20 =	vmul.f32 v20, v20;
	v22 =	vmul.f32 v22, v22;
	v9 =	vsub.f32 v9, v12;
	v12 =	vld [tilespmem:s25+$0x0]  }
0x44: {  	v17 =	vmul.f32 v17, v17;
	v21 =	vmul.f32 v21, v21;
	v7 =	vsub.f32 v7, v8;
	s24 =	sor.u32 s24, s26;
	v8 =	vld [tilespmem:s25+$0x8000]  }
0x45: {  	v16 =	vmul.f32 v16, v16;
	v18 =	vmul.f32 v18, v18;
	v3 =	vsub.f32 v3, v5;
	v23 =	vld [tilespmem:s24+$0x0]  }
0x46: {  	v5 =	vmul.f32 v14, v14;
	v2 =	vsub.f32 v2, v6;
	v14 =	vmul.f32 v19, v19;
	v24 =	vld [tilespmem:s24+$0x8000]  }
0x47: {  	v6 =	vmul.f32 v15, v15;
	v9 =	vmul.f32 v9, v9;
	v4 =	vsub.f32 v4, v11;
	v19 =	vld [tilespmem:s24+$0x80]  }
0x48: {  	v7 =	vmul.f32 v7, v7;
	v3 =	vmul.f32 v3, v3;
	v10 =	vsub.f32 v10, v13;
	v11 =	vld [tilespmem:s24+$0x8080]  }
0x49: {  	v2 =	vmul.f32 v2, v2;
	v4 =	vmul.f32 v4, v4;
	v13 =	vld [tilespmem:s24+$0x100];
	v8 =	vsub.f32 v12, v8  }
0x4a: {  	v17 =	vadd.f32 v21, v17;
	v10 =	vmul.f32 v10, v10;
	v12 =	vadd.f32 v22, v20;
	v15 =	vld [tilespmem:s24+$0x8100]  }
0x4b: {  	v16 =	vadd.f32 v18, v16;
	v5 =	vadd.f32 v14, v5;
	v21 =	vld [tilespmem:s24+$0x180];
	v8 =	vmul.f32 v8, v8  }
0x4c: {  	v6 =	vadd.f32 v9, v6;
	v3 =	vadd.f32 v3, v7;
	v14 =	vld [tilespmem:s24+$0x8180]  }
0x4d: {  	v2 =	vadd.f32 v4, v2;
	v18 =	vld [tilespmem:s24+$0x200];
	v4 =	vadd.f32 v8, v10  }
0x4e: {  	v5 =	vadd.f32 v5, v16;
	v7 =	vadd.f32 v17, v12;
	v10 =	vld [tilespmem:s24+$0x8200]  }
0x4f: {  	v3 =	vadd.f32 v3, v6;
	v25 =	vld [tilespmem:s24+$0x280];
	v2 =	vadd.f32 v4, v2  }
0x50: {  	v26 =	vld [tilespmem:s24+$0x8280]  }
0x51: {  	s25 =	sor.u32 s23, s22;
	v4 =	vadd.f32 v5, v7;
	v27 =	vld [tilespmem:s24+$0x300];
	v2 =	vadd.f32 v2, v3  }
0x52: {  	s26 =	sor.u32 $0x380, s25;
	v28 =	vld [tilespmem:s24+$0x8300]  }
0x53: {  	v29 =	vld [tilespmem:s26+$0x0];
	v2 =	vadd.f32 v2, v4  }
0x54: {  	v30 =	vld [tilespmem:s26+$0x8000]  }
0x55: {  	v31 =	vld [tilespmem:s24+$0x2000];
	v1 =	vadd.f32 v2, v1  }
0x56: {  	v32 =	vld [tilespmem:s24+$0xA000]  }
0x57: {  	v9 =	vld [tilespmem:s24+$0x2080]  }
0x58: {  	v12 =	vld [tilespmem:s24+$0xA080]  }
0x59: {  	v7 =	vld [tilespmem:s24+$0x2100]  }
0x5a: {  	v8 =	vld [tilespmem:s24+$0xA100]  }
0x5b: {  	v3 =	vld [tilespmem:s24+$0x2180]  }
0x5c: {  	v5 =	vld [tilespmem:s24+$0xA180]  }
0x5d: {  	v2 =	vld [tilespmem:s24+$0x2200]  }
.Ltmp2:
0x5e: {  	v20 =	vsub.f32 v23, v24;
	v6 =	vld [tilespmem:s24+$0xA200];
	(pc) =	sbr.rel @p0 .LBB2_3-.Ltmp2, $4  }
0x5f: {  	v22 =	vsub.f32 v19, v11;
	v17 =	vsub.f32 v13, v15;
	v4 =	vld [tilespmem:s24+$0x2280]  }
0x60: {  	v21 =	vsub.f32 v21, v14;
	v16 =	vsub.f32 v18, v10;
	v11 =	vld [tilespmem:s24+$0xA280]  }
0x61: {  	v18 =	vsub.f32 v25, v26;
	v14 =	vsub.f32 v27, v28;
	v10 =	vld [tilespmem:s24+$0x2300]  }
0x62: {  	s22 =	sadd.s32 $0x80, s22;
	s23 =	sadd.s32 $0x10, s23;
	s25 =	sor.u32 $0x2380, s25;
	v19 =	vsub.f32 v29, v30;
	v15 =	vsub.f32 v31, v32;
	v13 =	vld [tilespmem:s24+$0xA300]  }
0x63: {  	v20 =	vmul.f32 v20, v20;
	v22 =	vmul.f32 v22, v22;
	v9 =	vsub.f32 v9, v12;
	v12 =	vld [tilespmem:s25+$0x0]  }
0x64: {  	v17 =	vmul.f32 v17, v17;
	v21 =	vmul.f32 v21, v21;
	v7 =	vsub.f32 v7, v8;
	v8 =	vld [tilespmem:s25+$0x8000]  }
0x65: {  	v16 =	vmul.f32 v16, v16;
	v18 =	vmul.f32 v18, v18;
	v3 =	vsub.f32 v3, v5  }
0x66: {  	v5 =	vmul.f32 v14, v14;
	v2 =	vsub.f32 v2, v6;
	v14 =	vmul.f32 v19, v19  }
0x67: {  	v6 =	vmul.f32 v15, v15;
	v9 =	vmul.f32 v9, v9;
	v4 =	vsub.f32 v4, v11  }
0x68: {  	v7 =	vmul.f32 v7, v7;
	v3 =	vmul.f32 v3, v3;
	v11 =	vadd.f32 v22, v20  }
0x69: {  	v2 =	vmul.f32 v2, v2;
	v10 =	vsub.f32 v10, v13;
	v8 =	vsub.f32 v12, v8  }
0x6a: {  	v5 =	vadd.f32 v14, v5;
	v4 =	vmul.f32 v4, v4;
	v13 =	vadd.f32 v18, v16  }
0x6b: {  	v6 =	vadd.f32 v9, v6;
	v10 =	vmul.f32 v10, v10;
	v8 =	vmul.f32 v8, v8  }
0x6c: {  	v3 =	vadd.f32 v3, v7;
	v12 =	vadd.f32 v21, v17  }
0x6d: {  	v2 =	vadd.f32 v4, v2;
	v4 =	vadd.f32 v8, v10  }
0x6e: {  	v5 =	vadd.f32 v5, v13;
	v3 =	vadd.f32 v3, v6  }
0x6f: {  	v7 =	vadd.f32 v12, v11;
	v2 =	vadd.f32 v4, v2;
	_ =	sdelay $0x1  }
0x70: {  	v4 =	vadd.f32 v5, v7;
	v2 =	vadd.f32 v2, v3  }
0x71: {  	v3 =	vld [tilespmem:$0x10000]  }
0x72: {  	v2 =	vadd.f32 v2, v4;
	_ =	sdelay $0x1  }
0x73: {  	v1 =	vadd.f32 v2, v1;
	_ =	sdelay $0x1  }
0x74: {  	s22 =	sshll.u32 s21, $0xC;
	p0 =	seq.s32 s21, $0x1F;
	v1 =	vadd.f32 v3, v1  }
0x75: {  	s23 =	sadd.s32 @!p0 s22, s9  }
0x76: {  	s25 =	simm.s32 @!p0 $0x0;
	s24 =	sadd.s32 @!p0 s1, s23;
	[tilespmem:$0x10000] =	vst v1  }
0x77: {  	[tilespmem:s25], [sflag:$0x1] =	stream.linear.gather @!p0 [hbm4b:s24+s25], $0x4000, $0x38;
	[tilespmem:$0x10080] =	vst v63  }
0x78: {  	s23 =	sadd.s32 @!p0 s2, s23;
	s24 =	simm.s32 @!p0 $0x8000  }
0x79: {  	[tilespmem:s24], [sflag:$0x1] =	stream.linear.gather @!p0 [hbm4b:s23+s25], $0x4000, $0x38;
	[tilespmem:$0x10080] =	vst v63  }
0x7a: {  	_ =	swait.ge [sflag:s17], $0x4000  }
0x7b: {  	[sflag:s17] =	ssyncset.done $0x0  }
0x7c: {  	[sflag:s17] =	ssyncadd.s32 $0xFFFFC000  }
0x7d: {  	s28 =	simm.s32 $0x0;
	_ =	swait.ge [sflag:s17], $0x4000  }
0x7e: {  	s29 =	sand.u32 $0x70, s28;
	s30 =	sand.u32 $0x1C00, s28;
	[sflag:s17] =	ssyncset.done $0x0  }
0x7f: {  	s24 =	sor.u32 s29, s30;
	[sflag:s17] =	ssyncadd.s32 $0xFFFFC000  }
0x80: {  	v1 =	vld [tilespmem:s24+$0x4000]  }
0x81: {  	v4 =	vld [tilespmem:s24+$0xC000]  }
0x82: {  	v10 =	vld [tilespmem:s24+$0x4080]  }
0x83: {  	v11 =	vld [tilespmem:s24+$0xC080]  }
0x84: {  	v13 =	vld [tilespmem:s24+$0x4100]  }
0x85: {  	v14 =	vld [tilespmem:s24+$0xC100]  }
0x86: {  	v15 =	vld [tilespmem:s24+$0x4180]  }
0x87: {  	v16 =	vld [tilespmem:s24+$0xC180]  }
0x88: {  	v18 =	vld [tilespmem:s24+$0x4200]  }
0x89: {  	v19 =	vld [tilespmem:s24+$0xC200]  }
0x8a: {  	v23 =	vld [tilespmem:s24+$0x4280]  }
0x8b: {  	v24 =	vld [tilespmem:s24+$0xC280]  }
0x8c: {  	s23 =	sor.u32 s28, s28;
	v25 =	vld [tilespmem:s24+$0x4300]  }
0x8d: {  	s31 =	sor.u32 $0x380, s23;
	v26 =	vld [tilespmem:s24+$0xC300]  }
0x8e: {  	v27 =	vld [tilespmem:s31+$0x4000]  }
0x8f: {  	v28 =	vld [tilespmem:s31+$0xC000]  }
0x90: {  	v29 =	vld [tilespmem:s24+$0x6000]  }
0x91: {  	v30 =	vld [tilespmem:s24+$0xE000]  }
0x92: {  	v9 =	vld [tilespmem:s24+$0x6080]  }
0x93: {  	v12 =	vld [tilespmem:s24+$0xE080]  }
0x94: {  	v7 =	vld [tilespmem:s24+$0x6100]  }
0x95: {  	v8 =	vld [tilespmem:s24+$0xE100]  }
0x96: {  	v3 =	vld [tilespmem:s24+$0x6180]  }
0x97: {  	v5 =	vld [tilespmem:s24+$0xE180]  }
0x98: {  	v2 =	vld [tilespmem:s24+$0x6200]  }
0x99: {  	v6 =	vld [tilespmem:s24+$0xE200];
	v20 =	vsub.f32 v1, v4  }
0x9a: {  	v22 =	vsub.f32 v10, v11;
	v17 =	vsub.f32 v13, v14;
	v4 =	vld [tilespmem:s24+$0x6280]  }
0x9b: {  	v21 =	vsub.f32 v15, v16;
	v16 =	vsub.f32 v18, v19;
	v11 =	vld [tilespmem:s24+$0xE280]  }
0x9c: {  	v18 =	vsub.f32 v23, v24;
	v14 =	vsub.f32 v25, v26;
	v10 =	vld [tilespmem:s24+$0x6300]  }
0x9d: {  	s26 =	sor.u32 $0x2380, s23;
	s23 =	simm.s32 $0x80;
	v1 =	vimm.f32 $0.0e+00;
	v19 =	vsub.f32 v27, v28;
	v15 =	vsub.f32 v29, v30;
	v13 =	vld [tilespmem:s24+$0xE300];
	s24 =	simm.s32 $0x10  }
.LBB2_5:
0x9e: {  	s25 =	sand.u32 $0x70, s24;
	s28 =	sand.u32 $0x1C00, s23;
	p1 =	sne.s32 s24, $0x3F0;
	v20 =	vmul.f32 v20, v20;
	v22 =	vmul.f32 v22, v22;
	v9 =	vsub.f32 v9, v12;
	v12 =	vld [tilespmem:s26+$0x4000]  }
0x9f: {  	v17 =	vmul.f32 v17, v17;
	v21 =	vmul.f32 v21, v21;
	v7 =	vsub.f32 v7, v8;
	s25 =	sor.u32 s25, s28;
	v8 =	vld [tilespmem:s26+$0xC000]  }
0xa0: {  	v16 =	vmul.f32 v16, v16;
	v18 =	vmul.f32 v18, v18;
	v3 =	vsub.f32 v3, v5;
	v23 =	vld [tilespmem:s25+$0x4000]  }
0xa1: {  	v5 =	vmul.f32 v14, v14;
	v2 =	vsub.f32 v2, v6;
	v14 =	vmul.f32 v19, v19;
	v24 =	vld [tilespmem:s25+$0xC000]  }
0xa2: {  	v6 =	vmul.f32 v15, v15;
	v9 =	vmul.f32 v9, v9;
	v4 =	vsub.f32 v4, v11;
	v19 =	vld [tilespmem:s25+$0x4080]  }
0xa3: {  	v7 =	vmul.f32 v7, v7;
	v3 =	vmul.f32 v3, v3;
	v10 =	vsub.f32 v10, v13;
	v11 =	vld [tilespmem:s25+$0xC080]  }
0xa4: {  	v2 =	vmul.f32 v2, v2;
	v4 =	vmul.f32 v4, v4;
	v13 =	vld [tilespmem:s25+$0x4100];
	v8 =	vsub.f32 v12, v8  }
0xa5: {  	v17 =	vadd.f32 v21, v17;
	v10 =	vmul.f32 v10, v10;
	v12 =	vadd.f32 v22, v20;
	v15 =	vld [tilespmem:s25+$0xC100]  }
0xa6: {  	v16 =	vadd.f32 v18, v16;
	v5 =	vadd.f32 v14, v5;
	v21 =	vld [tilespmem:s25+$0x4180];
	v8 =	vmul.f32 v8, v8  }
0xa7: {  	v6 =	vadd.f32 v9, v6;
	v3 =	vadd.f32 v3, v7;
	v14 =	vld [tilespmem:s25+$0xC180]  }
0xa8: {  	v2 =	vadd.f32 v4, v2;
	v18 =	vld [tilespmem:s25+$0x4200];
	v4 =	vadd.f32 v8, v10  }
0xa9: {  	v5 =	vadd.f32 v5, v16;
	v7 =	vadd.f32 v17, v12;
	v10 =	vld [tilespmem:s25+$0xC200]  }
0xaa: {  	v3 =	vadd.f32 v3, v6;
	v25 =	vld [tilespmem:s25+$0x4280];
	v2 =	vadd.f32 v4, v2  }
0xab: {  	v26 =	vld [tilespmem:s25+$0xC280]  }
0xac: {  	s26 =	sor.u32 s24, s23;
	v4 =	vadd.f32 v5, v7;
	v27 =	vld [tilespmem:s25+$0x4300];
	v2 =	vadd.f32 v2, v3  }
0xad: {  	s28 =	sor.u32 $0x380, s26;
	v28 =	vld [tilespmem:s25+$0xC300]  }
0xae: {  	v29 =	vld [tilespmem:s28+$0x4000];
	v2 =	vadd.f32 v2, v4  }
0xaf: {  	v30 =	vld [tilespmem:s28+$0xC000]  }
0xb0: {  	v31 =	vld [tilespmem:s25+$0x6000];
	v1 =	vadd.f32 v2, v1  }
0xb1: {  	v32 =	vld [tilespmem:s25+$0xE000]  }
0xb2: {  	v9 =	vld [tilespmem:s25+$0x6080]  }
0xb3: {  	v12 =	vld [tilespmem:s25+$0xE080]  }
0xb4: {  	v7 =	vld [tilespmem:s25+$0x6100]  }
0xb5: {  	v8 =	vld [tilespmem:s25+$0xE100]  }
0xb6: {  	v3 =	vld [tilespmem:s25+$0x6180]  }
0xb7: {  	v5 =	vld [tilespmem:s25+$0xE180]  }
0xb8: {  	v2 =	vld [tilespmem:s25+$0x6200]  }
.Ltmp3:
0xb9: {  	v20 =	vsub.f32 v23, v24;
	v6 =	vld [tilespmem:s25+$0xE200];
	(pc) =	sbr.rel @p1 .LBB2_5-.Ltmp3, $4  }
0xba: {  	v22 =	vsub.f32 v19, v11;
	v17 =	vsub.f32 v13, v15;
	v4 =	vld [tilespmem:s25+$0x6280]  }
0xbb: {  	v21 =	vsub.f32 v21, v14;
	v16 =	vsub.f32 v18, v10;
	v11 =	vld [tilespmem:s25+$0xE280]  }
0xbc: {  	v18 =	vsub.f32 v25, v26;
	v14 =	vsub.f32 v27, v28;
	v10 =	vld [tilespmem:s25+$0x6300]  }
0xbd: {  	s23 =	sadd.s32 $0x80, s23;
	s24 =	sadd.s32 $0x10, s24;
	s26 =	sor.u32 $0x2380, s26;
	v19 =	vsub.f32 v29, v30;
	v15 =	vsub.f32 v31, v32;
	v13 =	vld [tilespmem:s25+$0xE300]  }
0xbe: {  	v20 =	vmul.f32 v20, v20;
	v22 =	vmul.f32 v22, v22;
	v9 =	vsub.f32 v9, v12;
	v53 =	vld [tilespmem:s26+$0x4000]  }
0xbf: {  	v17 =	vmul.f32 v17, v17;
	v21 =	vmul.f32 v21, v21;
	v7 =	vsub.f32 v7, v8;
	v54 =	vld [tilespmem:s26+$0xC000]  }
0xc0: {  	v16 =	vmul.f32 v16, v16;
	v18 =	vmul.f32 v18, v18;
	v3 =	vsub.f32 v3, v5  }
0xc1: {  	v55 =	vmul.f32 v14, v14;
	v2 =	vsub.f32 v2, v6;
	v56 =	vmul.f32 v19, v19  }
0xc2: {  	v57 =	vmul.f32 v15, v15;
	v9 =	vmul.f32 v9, v9;
	v4 =	vsub.f32 v4, v11  }
0xc3: {  	v7 =	vmul.f32 v7, v7;
	v3 =	vmul.f32 v3, v3;
	v58 =	vadd.f32 v22, v20  }
0xc4: {  	v2 =	vmul.f32 v2, v2;
	v10 =	vsub.f32 v10, v13;
	v8 =	vsub.f32 v53, v54  }
0xc5: {  	v59 =	vadd.f32 v21, v17;
	v60 =	vadd.f32 v18, v16;
	v4 =	vmul.f32 v4, v4  }
0xc6: {  	v5 =	vadd.f32 v56, v55;
	v10 =	vmul.f32 v10, v10;
	v8 =	vmul.f32 v8, v8  }
0xc7: {  	v6 =	vadd.f32 v9, v57;
	v3 =	vadd.f32 v3, v7  }
0xc8: {  	v2 =	vadd.f32 v4, v2;
	v61 =	vadd.f32 v8, v10  }
0xc9: {  	v62 =	vadd.f32 v59, v58;
	v5 =	vadd.f32 v5, v60  }
0xca: {  	v3 =	vadd.f32 v3, v6;
	v2 =	vadd.f32 v61, v2;
	_ =	sdelay $0x1  }
0xcb: {  	v63 =	vadd.f32 v5, v62;
	v2 =	vadd.f32 v2, v3  }
0xcc: {  	v3 =	vld [tilespmem:$0x10000]  }
0xcd: {  	v2 =	vadd.f32 v2, v63;
	_ =	sdelay $0x1  }
.Ltmp4:
0xce: {  	v1 =	vadd.f32 v2, v1;
	(pc) =	sbr.rel @p0 .LBB2_8-.Ltmp4, $3  }
0xcf: {  	_ = 	snop  }
0xd0: {  	v1 =	vadd.f32 v3, v1;
	_ =	sdelay $0x1  }
0xd1: {  	[tilespmem:$0x10000] =	vst v1  }
.Ltmp5:
0xd2: {  	s22 =	sadd.s32 s22, s10;
	(pc) =	sbr.rel .LBB2_2-.Ltmp5, $4  }
0xd3: {  	s23 =	sadd.s32 s1, s22  }
0xd4: {  	[tilespmem:s14], [sflag:$0x2] =	stream.linear.gather [hbm4b:s23+s4], $0x4000, $0x38;
	[tilespmem:$0x10080] =	vst v63  }
0xd5: {  	s21 =	sadd.s32 $0x1, s21;
	s22 =	sadd.s32 s2, s22  }
0xd6: {  	[tilespmem:s15], [sflag:$0x2] =	stream.linear.gather [hbm4b:s22+s4], $0x4000, $0x38;
	[tilespmem:$0x10080] =	vst v63  }
.LBB2_9:
0xd7: {  	_ =	sfence.sel $0x180000  }
0xd8: {  	[bflag:$0x0] =	sbarrier.arrive $0xFFFF  }
0xd9: {  	p0 =	sne.s32 s3, $0x0;
	_ =	strace $0x90000047  }
0xda: {  	s0 =	sadd.s32 @!p0 $0x100000, s0;
	[bflag:$0x2] =	sbarrier.arrive $0xFFFF  }
0xdb: {  	[sflag:s0] =	ssyncadd.tile.s32 @!p0 $0x1;
	_ =	shalt  }
.Lfunc_end2:
_tile_overlayer_lowered:
.L_overlay_start_2:
0xdc: {  	(tag) =	ssettag $0x2  }
0xdd: {  	s0 =	rddreg [dreg:$0x0];
	s2 =	stileid.u32  }
0xde: {  	s1 =	rddreg [dreg:$0x1];
	p0 =	sne.s32 s2, $0x0  }
0xdf: {  	s3 =	rddreg [dreg:$0x2];
	[bflag:$0x3] =	sbarrier.arrive $0xFFFF;
	s2 =	simm.s32 @!p0 $0x1C03  }
0xe0: {  	[timem:s3], [sflag:s2] =	dma.local @!p0 [hbm:s0], s1  }
0xe1: {  	s0 =	simm.s32 @!p0 $0x3  }
0xe2: {  	_ =	swait.ge @!p0 [sflag:s0], s1  }
0xe3: {  	s1 =	ssub.s32 @!p0 $0x0, s1;
	[sflag:s0] =	ssyncset.done @!p0 $0x0  }
0xe4: {  	[sflag:s0] =	ssyncadd.s32 @!p0 s1  }
0xe5: {  	[bflag:$0x3] =	sbarrier.arrive $0xFFFF  }
0xe6: {  	_ =	shalt  }

</sc_bundles>
